<compile_context>
chip_gen: v7x
topology: tpu7x:2x2x1
jax: 0.10.2.dev20260603
libtpu: 0.0.44.dev20260713+nightly
codegen_flags: <defaults>
</compile_context>

<pallas_src>
import functools

import jax
import jax.numpy as jnp
from jax import lax
from jax.experimental import pallas as pl
from jax.experimental.pallas import tpu as pltpu
from jax.experimental.pallas import tpu_sc as plsc

N = 10000
D = 128
H = 256
E = 160000

NC = 2
NS = 16
NW = NC * NS
CH = 128
E_PAD = 163840
EPW = E_PAD // NW
NCH = EPW // CH
NA = N + 16
ST = N // NS
DEGW = 16
_SC_PARAMS = pltpu.CompilerParams(use_tc_tiling_on_sc=False)

@functools.cache
def _mesh():
    return plsc.VectorSubcoreMesh(
        core_axis_name="c", subcore_axis_name="s", num_cores=NC, num_subcores=NS
    )


def _sc_degree(dst):
    return _sc_degree_kernel()(dst)


@functools.cache
def _sc_degree_kernel():
    return functools.partial(
        pl.kernel,
        out_type=jax.ShapeDtypeStruct((NC, N, DEGW), jnp.float32),
        mesh=_mesh(),
        scratch_types=[
            pltpu.VMEM((NCH, CH), jnp.int32),
            pltpu.VMEM((CH, DEGW), jnp.float32),
            pltpu.VMEM((ST, DEGW), jnp.float32),
            pltpu.VMEM_SHARED((NA, DEGW), jnp.float32),
            pltpu.SemaphoreType.DMA,
        ],
        compiler_params=_SC_PARAMS,
    )(_sc_degree_body)


def _sc_degree_body(ei_hbm, out_hbm, di_all, ones_v, zero_v, deg_sh, sem):
    cid = lax.axis_index("c")
    sid = lax.axis_index("s")
    wid = cid * NS + sid

    def fill_ones(i, _):
        ones_v[i] = jnp.full((DEGW,), 1.0, jnp.float32)
        return 0

    lax.fori_loop(0, CH, fill_ones, 0)

    def fill_zero(i, _):
        zero_v[i] = jnp.zeros((DEGW,), jnp.float32)
        return 0

    lax.fori_loop(0, ST, fill_zero, 0)
    pltpu.sync_copy(ei_hbm.at[1, wid], di_all)
    pltpu.sync_copy(zero_v, deg_sh.at[pl.ds(sid * ST, ST)])

    @pl.when(sid == NS - 1)
    def _():
        pltpu.sync_copy(zero_v.at[pl.ds(0, NA - N)], deg_sh.at[pl.ds(N, NA - N)])

    plsc.subcore_barrier()

    def body(j, _):
        pltpu.async_copy(ones_v, deg_sh.at[di_all.at[j]], sem, add=True)
        return 0

    lax.fori_loop(0, NCH, body, 0)

    def drain(j, _):
        pltpu.make_async_copy(ones_v, deg_sh.at[di_all.at[0]], sem).wait()
        return 0

    lax.fori_loop(0, NCH, drain, 0)

    plsc.subcore_barrier()
    pltpu.sync_copy(
        deg_sh.at[pl.ds(sid * ST, ST)],
        out_hbm.at[cid, pl.ds(sid * ST, ST)],
    )


def _sc_scatter(y, ei_p):
    return _sc_scatter_kernel()(y, ei_p)


NBUF = 4


@functools.cache
def _sc_scatter_kernel():
    return functools.partial(
        pl.kernel,
        out_type=jax.ShapeDtypeStruct((NC, N, D), jnp.bfloat16),
        mesh=_mesh(),
        scratch_types=[
            pltpu.VMEM((NCH, CH), jnp.int32),
            pltpu.VMEM((NCH, CH), jnp.int32),
            *[pltpu.VMEM((CH, D), jnp.bfloat16) for _ in range(NBUF)],
            pltpu.VMEM_SHARED((NA, D), jnp.bfloat16),
            pltpu.VMEM_SHARED((N, D), jnp.bfloat16),
            *[pltpu.SemaphoreType.DMA for _ in range(2 * NBUF)],
        ],
        compiler_params=_SC_PARAMS,
    )(_sc_scatter_body)


def _sc_scatter_body(y_hbm, ei_hbm, out_hbm, si_all, di_all, *rest):
    bufs = rest[:NBUF]
    agg_sh = rest[NBUF]
    y_sh = rest[NBUF + 1]
    gsems = rest[NBUF + 2: 2 * NBUF + 2]
    ssems = rest[2 * NBUF + 2:]
    cid = lax.axis_index("c")
    sid = lax.axis_index("s")
    wid = cid * NS + sid

    rows0_v = bufs[0]

    def fill_zero(i, _):
        def lane(l, _):
            rows0_v[i, pl.ds(l * 32, 32)] = jnp.zeros((32,), jnp.bfloat16)
            return 0

        lax.fori_loop(0, D // 32, lane, 0)
        return 0

    lax.fori_loop(0, CH, fill_zero, 0)
    pltpu.sync_copy(ei_hbm.at[0, wid], si_all)
    pltpu.sync_copy(ei_hbm.at[1, wid], di_all)
    pltpu.sync_copy(y_hbm.at[pl.ds(sid * ST, ST)], y_sh.at[pl.ds(sid * ST, ST)])
    for z in range(4):
        pltpu.sync_copy(rows0_v, agg_sh.at[pl.ds(sid * ST + z * CH, CH)])
    pltpu.sync_copy(
        rows0_v.at[pl.ds(0, ST - 4 * CH)],
        agg_sh.at[pl.ds(sid * ST + 4 * CH, ST - 4 * CH)],
    )

    @pl.when(sid == NS - 1)
    def _():
        pltpu.sync_copy(rows0_v.at[pl.ds(0, NA - N)], agg_sh.at[pl.ds(N, NA - N)])

    plsc.subcore_barrier()

    def g(j, buf, sem):
        pltpu.async_copy(y_sh.at[si_all.at[j]], buf, sem)

    def gw(buf, sem):
        pltpu.make_async_copy(y_sh.at[si_all.at[0]], buf, sem).wait()

    def s(j, buf, sem):
        pltpu.async_copy(buf, agg_sh.at[di_all.at[j]], sem, add=True)

    def sw(buf, sem):
        pltpu.make_async_copy(buf, agg_sh.at[di_all.at[0]], sem).wait()

    for b in range(NBUF):
        g(b, bufs[b], gsems[b])

    def body(p, _):
        for b in range(NBUF):
            j = NBUF * p + b
            gw(bufs[b], gsems[b])
            s(j, bufs[b], ssems[b])
        for b in range(NBUF):
            sw(bufs[b], ssems[b])
            g(lax.rem(NBUF * p + b + NBUF, NCH), bufs[b], gsems[b])
        return 0

    lax.fori_loop(0, NCH // NBUF, body, 0)
    for b in range(NBUF):
        gw(bufs[b], gsems[b])

    plsc.subcore_barrier()
    pltpu.sync_copy(
        agg_sh.at[pl.ds(sid * ST, ST)],
        out_hbm.at[cid, pl.ds(sid * ST, ST)],
    )


_BR = 2000
_NB = N // _BR


def _mm_body(x_ref, w_ref, o_ref):
    o_ref[...] = jnp.dot(x_ref[...], w_ref[...], preferred_element_type=jnp.float32)


def _tc_matmul(x, Wc):
    return pl.pallas_call(
        _mm_body,
        grid=(_NB,),
        in_specs=[
            pl.BlockSpec((_BR, D), lambda i: (i, 0)),
            pl.BlockSpec((D, D), lambda i: (0, 0)),
        ],
        out_specs=pl.BlockSpec((_BR, D), lambda i: (i, 0)),
        out_shape=jax.ShapeDtypeStruct((N, D), jnp.float32),
    )(x, Wc)


def _scale_body(degp_ref, xw_ref, y_ref, dinv_ref):
    deg = jnp.sum(degp_ref[...], axis=(0, 2)) * (1.0 / DEGW) + 1.0
    dinv = lax.rsqrt(deg)
    dinv_ref[...] = dinv[:, None]
    y_ref[...] = (xw_ref[...] * dinv[:, None]).astype(jnp.bfloat16)


def _tc_scale(degp, xw):
    return pl.pallas_call(
        _scale_body,
        grid=(_NB,),
        in_specs=[
            pl.BlockSpec((NC, _BR, DEGW), lambda i: (0, i, 0)),
            pl.BlockSpec((_BR, D), lambda i: (i, 0)),
        ],
        out_specs=[
            pl.BlockSpec((_BR, D), lambda i: (i, 0)),
            pl.BlockSpec((_BR, 1), lambda i: (i, 0)),
        ],
        out_shape=[
            jax.ShapeDtypeStruct((N, D), jnp.bfloat16),
            jax.ShapeDtypeStruct((N, 1), jnp.float32),
        ],
    )(degp, xw)


def _leaky(v):
    return jnp.where(v >= 0.0, v, 0.01 * v)


def _mlp_body(aggp_ref, y_ref, dinv_ref, x_ref, bc_ref,
              w1_ref, b1_ref, w2_ref, b2_ref, w3_ref, b3_ref,
              conc_ref, tot_ref, acc_ref):
    i = pl.program_id(0)
    agg = (
        aggp_ref[0].astype(jnp.float32)
        + aggp_ref[1].astype(jnp.float32)
        + y_ref[...].astype(jnp.float32)
    )
    conv = agg * dinv_ref[...] + bc_ref[...]
    h = jnp.maximum(conv, 0.0) + x_ref[...]
    h1 = _leaky(jnp.dot(h, w1_ref[...], preferred_element_type=jnp.float32) + b1_ref[...])
    h2 = _leaky(jnp.dot(h1, w2_ref[...], preferred_element_type=jnp.float32) + b2_ref[...])
    z = jnp.dot(h2, w3_ref[...], preferred_element_type=jnp.float32) + b3_ref[...]
    c = jnp.maximum(z, 0.0) + jnp.log1p(jnp.exp(-jnp.abs(z)))
    conc_ref[...] = c
    blk = jnp.sum(c)
    acc_ref[0] = jnp.where(i == 0, blk, acc_ref[0] + blk)

    @pl.when(i == _NB - 1)
    def _():
        tot_ref[0, 0] = acc_ref[0]


def _tc_mlp(aggp, y, dinv, x, bc, W1, b1, W2, b2, W3, b3):
    return pl.pallas_call(
        _mlp_body,
        grid=(_NB,),
        in_specs=[
            pl.BlockSpec((NC, _BR, D), lambda i: (0, i, 0)),
            pl.BlockSpec((_BR, D), lambda i: (i, 0)),
            pl.BlockSpec((_BR, 1), lambda i: (i, 0)),
            pl.BlockSpec((_BR, D), lambda i: (i, 0)),
            pl.BlockSpec((1, D), lambda i: (0, 0)),
            pl.BlockSpec((D, H), lambda i: (0, 0)),
            pl.BlockSpec((1, H), lambda i: (0, 0)),
            pl.BlockSpec((H, H), lambda i: (0, 0)),
            pl.BlockSpec((1, H), lambda i: (0, 0)),
            pl.BlockSpec((H, 1), lambda i: (0, 0)),
            pl.BlockSpec((1, 1), lambda i: (0, 0)),
        ],
        out_specs=[
            pl.BlockSpec((_BR, 1), lambda i: (i, 0)),
            pl.BlockSpec(memory_space=pltpu.SMEM),
        ],
        out_shape=[
            jax.ShapeDtypeStruct((N, 1), jnp.float32),
            jax.ShapeDtypeStruct((1, 1), jnp.float32),
        ],
        scratch_shapes=[pltpu.SMEM((1,), jnp.float32)],
    )(aggp, y, dinv, x, bc, W1, b1, W2, b2, W3, b3)


def _norm_body(conc_ref, tot_ref, out_ref):
    out_ref[...] = conc_ref[...] * (1.0 / (tot_ref[0] + 1e-20))


def _tc_norm(conc2, tot):
    return pl.pallas_call(
        _norm_body,
        in_specs=[
            pl.BlockSpec((1, N), lambda: (0, 0)),
            pl.BlockSpec(memory_space=pltpu.SMEM),
        ],
        out_specs=pl.BlockSpec((1, N), lambda: (0, 0)),
        out_shape=jax.ShapeDtypeStruct((1, N), jnp.float32),
    )(conc2, tot)


def kernel(x, edge_index, Wc, bc, W1, b1, W2, b2, W3, b3):
    ei = edge_index.astype(jnp.int32)
    pad_cols = jnp.concatenate(
        [jnp.zeros((1, E_PAD - E), jnp.int32),
         jnp.full((1, E_PAD - E), N, jnp.int32)], axis=0)
    ei_p = jnp.concatenate([ei, pad_cols], axis=1).reshape(2, NW, NCH, CH)

    xw = _tc_matmul(x, Wc)
    degp = _sc_degree(ei_p)
    y, dinv = _tc_scale(degp, xw)
    aggp = _sc_scatter(y, ei_p)
    conc, tot = _tc_mlp(
        aggp, y, dinv, x,
        bc.reshape(1, D), W1, b1.reshape(1, H), W2, b2.reshape(1, H),
        W3, b3.reshape(1, 1),
    )
    action = _tc_norm(conc.reshape(1, N), tot.reshape(1))
    return action

# --- scband reference (transcript-rebuilt; emitter-appended) ---
"""Pipeline reference for scband-sac-41094247088785 (READ-ONLY COPY).

The authoritative reference and input builder live on the scoring server;
editing this copy changes nothing except your own understanding.
"""

import jax, jax.numpy as jnp
import numpy as np

N_NODES = 10000
D_FEAT = 128
HIDDEN = 256
N_EDGES = 160000


def gcn_conv(x, edge_index, W, b):
    # GCNConv with self-loops and symmetric normalization (PyG default)
    N = x.shape[0]
    src = edge_index[0]
    dst = edge_index[1]
    loop = jnp.arange(N, dtype=edge_index.dtype)
    src = jnp.concatenate([src, loop])
    dst = jnp.concatenate([dst, loop])
    deg = jnp.zeros((N,), dtype=x.dtype).at[dst].add(1.0)
    dinv = 1.0 / jnp.sqrt(jnp.clip(deg, 1.0))
    xw = x @ W
    norm = (dinv[src] * dinv[dst])[:, None]
    msg = jnp.take(xw, src, axis=0) * norm
    out = jnp.zeros_like(xw).at[dst].add(msg)
    return out + b


def setup_inputs(seed: int = 0) -> dict:
    key = jax.random.key(seed)
    ks = jax.random.split(key, 10)
    x = jax.random.normal(ks[0], (N_NODES, D_FEAT), dtype=jnp.float32)
    edge_index = jax.random.randint(ks[1], (2, N_EDGES), 0, N_NODES, dtype=jnp.int64)
    Wc = jax.random.normal(ks[2], (D_FEAT, D_FEAT), dtype=jnp.float32) * 0.05
    bc = jnp.zeros((D_FEAT,), dtype=jnp.float32)
    W1 = jax.random.normal(ks[3], (D_FEAT, HIDDEN), dtype=jnp.float32) * 0.05
    b1 = jnp.zeros((HIDDEN,), dtype=jnp.float32)
    W2 = jax.random.normal(ks[4], (HIDDEN, HIDDEN), dtype=jnp.float32) * 0.05
    b2 = jnp.zeros((HIDDEN,), dtype=jnp.float32)
    W3 = jax.random.normal(ks[5], (HIDDEN, 1), dtype=jnp.float32) * 0.05
    b3 = jnp.zeros((1,), dtype=jnp.float32)
    return {"x": x, "edge_index": edge_index, "Wc": Wc, "bc": bc,
            "W1": W1, "b1": b1, "W2": W2, "b2": b2, "W3": W3, "b3": b3}


def reference(x, edge_index, Wc, bc, W1, b1, W2, b2, W3, b3):
    # SAC.select_action path: GNNActor forward in deterministic mode.
    # conv -> residual -> reshape to (batch, act_dim, in_channels) -> MLP -> softplus
    # -> deterministic Dirichlet mean action = concentration / sum(concentration)
    out = jax.nn.relu(gcn_conv(x, edge_index, Wc, bc))
    h = out + x
    h = h.reshape(-1, N_NODES, D_FEAT)  # (batch=1, act_dim, in_channels)
    h = jax.nn.leaky_relu(h @ W1 + b1)
    h = jax.nn.leaky_relu(h @ W2 + b2)
    concentration = jax.nn.softplus(h @ W3 + b3).squeeze(-1)  # (1, act_dim)
    action = concentration / (concentration.sum() + 1e-20)
    return action

if __name__ == "__main__":
    import jax
    _d = setup_inputs()
    print(jax.jit(kernel)(*tuple(_d.values())))

</pallas_src>

<mosaic_0001>
#map = affine_map<(d0, d1) -> (0, 0, 0, 0)>
#map1 = affine_map<(d0, d1) -> (0, 0, 0)>
module attributes {stable_mosaic.version = 14 : i64} {
  func.func @_sc_degree_body(%arg0: i32, %arg1: i32, %arg2: memref<2x32x40x128xi32, #tpu.memory_space<hbm>>, %arg3: memref<2x10000x16xf32, #tpu.memory_space<hbm>>, %arg4: memref<40x128xi32, #tpu.memory_space<vmem>>, %arg5: memref<128x16xf32, #tpu.memory_space<vmem>>, %arg6: memref<625x16xf32, #tpu.memory_space<vmem>>, %arg7: memref<10016x16xf32, #tpu.memory_space<vmem_shared>>, %arg8: memref<!tpu.dma_semaphore, #tpu.memory_space<semaphore_mem>>) attributes {dimension_semantics = [#tpu.dimension_semantics<core_parallel>, #tpu.dimension_semantics<subcore_parallel>], iteration_bounds = array<i64: 2, 16>, scalar_prefetch = 0 : i64, scratch_operands = 5 : i64, tpu.core_type = #tpu.core_type<sc_vector_subcore>, window_params = [{transform_indices = #map}, {transform_indices = #map1}]} {
    %mul3A = arith.constant 16 : i32
    %mul3A_0 = arith.muli %arg0, %mul3A : i32
    %add3A = arith.addi %mul3A_0, %arg1 : i32
    %scan3A = arith.constant 0 : i32
    %scan3A_1 = arith.constant 0 : i32
    %scan3A_2 = arith.constant 128 : i32
    %scan3A_3 = arith.addi %scan3A_1, %scan3A_2 : i32
    %scan3A_4 = arith.constant 1 : i32
    %scan3A_5 = scf.for %scan3A_37 = %scan3A_1 to %scan3A_3 step %scan3A_4 iter_args(%scan3A_38 = %scan3A) -> (i32)  : i32 {
      %broadcast_in_dim3A = arith.constant 1.000000e+00 : f32
      %broadcast_in_dim3A_39 = vector.broadcast %broadcast_in_dim3A : f32 to vector<16xf32>
      %swap3A = arith.index_cast %scan3A_37 : i32 to index
      %swap3A_40 = arith.constant 0 : index
      %swap3A_41 = tpu.vector_load %arg5[%swap3A, %swap3A_40] {strides = array<i32>} : memref<128x16xf32, #tpu.memory_space<vmem>>, vector<1x16xf32>,
      %swap3A_42 = vector.shape_cast %swap3A_41 : vector<1x16xf32> to vector<16xf32>
      %swap3A_43 = vector.shape_cast %broadcast_in_dim3A_39 : vector<16xf32> to vector<1x16xf32>
      tpu.vector_store %arg5[%swap3A, %swap3A_40], %swap3A_43 {strides = array<i32>} : memref<128x16xf32, #tpu.memory_space<vmem>>, vector<1x16xf32>,
      %scan3A_44 = arith.constant 0 : i32
      scf.yield %scan3A_44 : i32
    }
    %scan3A_6 = arith.constant 128 : i32
    %scan3A_7 = arith.constant 0 : i32
    %scan3A_8 = arith.constant 0 : i32
    %scan3A_9 = arith.constant 625 : i32
    %scan3A_10 = arith.addi %scan3A_8, %scan3A_9 : i32
    %scan3A_11 = arith.constant 1 : i32
    %scan3A_12 = scf.for %scan3A_37 = %scan3A_8 to %scan3A_10 step %scan3A_11 iter_args(%scan3A_38 = %scan3A_7) -> (i32)  : i32 {
      %broadcast_in_dim3A = arith.constant 0.000000e+00 : f32
      %broadcast_in_dim3A_39 = vector.broadcast %broadcast_in_dim3A : f32 to vector<16xf32>
      %swap3A = arith.index_cast %scan3A_37 : i32 to index
      %swap3A_40 = arith.constant 0 : index
      %swap3A_41 = tpu.vector_load %arg6[%swap3A, %swap3A_40] {strides = array<i32>} : memref<625x16xf32, #tpu.memory_space<vmem>>, vector<1x16xf32>,
      %swap3A_42 = vector.shape_cast %swap3A_41 : vector<1x16xf32> to vector<16xf32>
      %swap3A_43 = vector.shape_cast %broadcast_in_dim3A_39 : vector<16xf32> to vector<1x16xf32>
      tpu.vector_store %arg6[%swap3A, %swap3A_40], %swap3A_43 {strides = array<i32>} : memref<625x16xf32, #tpu.memory_space<vmem>>, vector<1x16xf32>,
      %scan3A_44 = arith.constant 0 : i32
      scf.yield %scan3A_44 : i32
    }
    %scan3A_13 = arith.constant 625 : i32
    %run_scoped3A = arith.constant 1 : i32
    "tpu.region"() ({
      %run_scoped3A_37 = tpu.sem_alloc : memref<!tpu.dma_semaphore, #tpu.memory_space<semaphore_mem>>
      %dma_start3A = arith.constant 0 : i32
      %dma_start3A_38 = arith.constant 0 : i32
      %dma_start3A_39 = tpu.memref_slice %arg2[%run_scoped3A, %add3A, %dma_start3A, %dma_start3A_38] : memref<2x32x40x128xi32, #tpu.memory_space<hbm>> -> memref<1x1x40x128xi32, #tpu.memory_space<hbm>>
      %dma_start3A_40 = tpu.memref_squeeze %dma_start3A_39 : memref<1x1x40x128xi32, #tpu.memory_space<hbm>> -> memref<40x128xi32, #tpu.memory_space<hbm>>
      %dma_start3A_41 = arith.constant 0 : i32
      %dma_start3A_42 = arith.constant 0 : i32
      %dma_start3A_43 = tpu.memref_slice %arg2[%run_scoped3A, %add3A, %dma_start3A_41, %dma_start3A_42] : memref<2x32x40x128xi32, #tpu.memory_space<hbm>> -> memref<1x1x40x128xi32, #tpu.memory_space<hbm>>
      %dma_start3A_44 = tpu.memref_squeeze %dma_start3A_43 : memref<1x1x40x128xi32, #tpu.memory_space<hbm>> -> memref<40x128xi32, #tpu.memory_space<hbm>>
      tpu.enqueue_dma source(%dma_start3A_44 : memref<40x128xi32, #tpu.memory_space<hbm>>) target(%arg4 : memref<40x128xi32, #tpu.memory_space<vmem>>) target_semaphore(%run_scoped3A_37 : memref<!tpu.dma_semaphore, #tpu.memory_space<semaphore_mem>>)
      %dma_wait3A = arith.constant 0 : i32
      %dma_wait3A_45 = arith.constant 0 : i32
      %dma_wait3A_46 = tpu.memref_slice %arg2[%run_scoped3A, %add3A, %dma_wait3A, %dma_wait3A_45] : memref<2x32x40x128xi32, #tpu.memory_space<hbm>> -> memref<1x1x40x128xi32, #tpu.memory_space<hbm>>
      %dma_wait3A_47 = tpu.memref_squeeze %dma_wait3A_46 : memref<1x1x40x128xi32, #tpu.memory_space<hbm>> -> memref<40x128xi32, #tpu.memory_space<hbm>>
      %dma_wait3A_48 = arith.constant 0 : i32
      %dma_wait3A_49 = arith.constant 0 : i32
      %dma_wait3A_50 = tpu.memref_slice %arg2[%run_scoped3A, %add3A, %dma_wait3A_48, %dma_wait3A_49] : memref<2x32x40x128xi32, #tpu.memory_space<hbm>> -> memref<1x1x40x128xi32, #tpu.memory_space<hbm>>
      %dma_wait3A_51 = tpu.memref_squeeze %dma_wait3A_50 : memref<1x1x40x128xi32, #tpu.memory_space<hbm>> -> memref<40x128xi32, #tpu.memory_space<hbm>>
      tpu.wait_dma2 semaphore(%run_scoped3A_37 : memref<!tpu.dma_semaphore, #tpu.memory_space<semaphore_mem>>) src(%dma_wait3A_51 : memref<40x128xi32, #tpu.memory_space<hbm>>) dst(%arg4 : memref<40x128xi32, #tpu.memory_space<vmem>>)
      tpu.yield
    }) : () -> ()
    %mul3A_14 = arith.constant 625 : i32
    %mul3A_15 = arith.muli %arg1, %mul3A_14 : i32
    "tpu.region"() ({
      %run_scoped3A_37 = tpu.sem_alloc : memref<!tpu.dma_semaphore, #tpu.memory_space<semaphore_mem>>
      %dma_start3A = arith.constant 0 : i32
      %dma_start3A_38 = tpu.memref_slice %arg7[%mul3A_15, %dma_start3A] : memref<10016x16xf32, #tpu.memory_space<vmem_shared>> -> memref<625x16xf32, #tpu.memory_space<vmem_shared>>
      %dma_start3A_39 = arith.constant 0 : i32
      %dma_start3A_40 = tpu.memref_slice %arg7[%mul3A_15, %dma_start3A_39] : memref<10016x16xf32, #tpu.memory_space<vmem_shared>> -> memref<625x16xf32, #tpu.memory_space<vmem_shared>>
      tpu.enqueue_dma source(%arg6 : memref<625x16xf32, #tpu.memory_space<vmem>>) target(%dma_start3A_40 : memref<625x16xf32, #tpu.memory_space<vmem_shared>>) target_semaphore(%run_scoped3A_37 : memref<!tpu.dma_semaphore, #tpu.memory_space<semaphore_mem>>)
      %dma_wait3A = arith.constant 0 : i32
      %dma_wait3A_41 = tpu.memref_slice %arg7[%mul3A_15, %dma_wait3A] : memref<10016x16xf32, #tpu.memory_space<vmem_shared>> -> memref<625x16xf32, #tpu.memory_space<vmem_shared>>
      %dma_wait3A_42 = arith.constant 0 : i32
      %dma_wait3A_43 = tpu.memref_slice %arg7[%mul3A_15, %dma_wait3A_42] : memref<10016x16xf32, #tpu.memory_space<vmem_shared>> -> memref<625x16xf32, #tpu.memory_space<vmem_shared>>
      tpu.wait_dma2 semaphore(%run_scoped3A_37 : memref<!tpu.dma_semaphore, #tpu.memory_space<semaphore_mem>>) src(%arg6 : memref<625x16xf32, #tpu.memory_space<vmem>>) dst(%dma_wait3A_43 : memref<625x16xf32, #tpu.memory_space<vmem_shared>>)
      tpu.yield
    }) : () -> ()
    %eq3A = arith.constant 15 : i32
    %eq3A_16 = arith.cmpi eq, %arg1, %eq3A : i32
    %convert_element_type3A = arith.extui %eq3A_16 : i1 to i32
    %cond3A = arith.constant 0 : i32
    %cond3A_17 = arith.cmpi ne, %convert_element_type3A, %cond3A : i32
    scf.if %cond3A_17 {
      "tpu.region"() ({
        %run_scoped3A_37 = tpu.sem_alloc : memref<!tpu.dma_semaphore, #tpu.memory_space<semaphore_mem>>
        %dma_start3A = arith.constant 0 : i32
        %dma_start3A_38 = arith.constant 0 : i32
        %dma_start3A_39 = tpu.memref_slice %arg6[%dma_start3A, %dma_start3A_38] : memref<625x16xf32, #tpu.memory_space<vmem>> -> memref<16x16xf32, #tpu.memory_space<vmem>>
        %dma_start3A_40 = arith.constant 10000 : i32
        %dma_start3A_41 = arith.constant 0 : i32
        %dma_start3A_42 = tpu.memref_slice %arg7[%dma_start3A_40, %dma_start3A_41] : memref<10016x16xf32, #tpu.memory_space<vmem_shared>> -> memref<16x16xf32, #tpu.memory_space<vmem_shared>>
        %dma_start3A_43 = arith.constant 10000 : i32
        %dma_start3A_44 = arith.constant 0 : i32
        %dma_start3A_45 = tpu.memref_slice %arg7[%dma_start3A_43, %dma_start3A_44] : memref<10016x16xf32, #tpu.memory_space<vmem_shared>> -> memref<16x16xf32, #tpu.memory_space<vmem_shared>>
        %dma_start3A_46 = arith.constant 0 : i32
        %dma_start3A_47 = arith.constant 0 : i32
        %dma_start3A_48 = tpu.memref_slice %arg6[%dma_start3A_46, %dma_start3A_47] : memref<625x16xf32, #tpu.memory_space<vmem>> -> memref<16x16xf32, #tpu.memory_space<vmem>>
        tpu.enqueue_dma source(%dma_start3A_48 : memref<16x16xf32, #tpu.memory_space<vmem>>) target(%dma_start3A_45 : memref<16x16xf32, #tpu.memory_space<vmem_shared>>) target_semaphore(%run_scoped3A_37 : memref<!tpu.dma_semaphore, #tpu.memory_space<semaphore_mem>>)
        %dma_wait3A = arith.constant 0 : i32
        %dma_wait3A_49 = arith.constant 0 : i32
        %dma_wait3A_50 = tpu.memref_slice %arg6[%dma_wait3A, %dma_wait3A_49] : memref<625x16xf32, #tpu.memory_space<vmem>> -> memref<16x16xf32, #tpu.memory_space<vmem>>
        %dma_wait3A_51 = arith.constant 10000 : i32
        %dma_wait3A_52 = arith.constant 0 : i32
        %dma_wait3A_53 = tpu.memref_slice %arg7[%dma_wait3A_51, %dma_wait3A_52] : memref<10016x16xf32, #tpu.memory_space<vmem_shared>> -> memref<16x16xf32, #tpu.memory_space<vmem_shared>>
        %dma_wait3A_54 = arith.constant 10000 : i32
        %dma_wait3A_55 = arith.constant 0 : i32
        %dma_wait3A_56 = tpu.memref_slice %arg7[%dma_wait3A_54, %dma_wait3A_55] : memref<10016x16xf32, #tpu.memory_space<vmem_shared>> -> memref<16x16xf32, #tpu.memory_space<vmem_shared>>
        %dma_wait3A_57 = arith.constant 0 : i32
        %dma_wait3A_58 = arith.constant 0 : i32
        %dma_wait3A_59 = tpu.memref_slice %arg6[%dma_wait3A_57, %dma_wait3A_58] : memref<625x16xf32, #tpu.memory_space<vmem>> -> memref<16x16xf32, #tpu.memory_space<vmem>>
        tpu.wait_dma2 semaphore(%run_scoped3A_37 : memref<!tpu.dma_semaphore, #tpu.memory_space<semaphore_mem>>) src(%dma_wait3A_59 : memref<16x16xf32, #tpu.memory_space<vmem>>) dst(%dma_wait3A_56 : memref<16x16xf32, #tpu.memory_space<vmem_shared>>)
        tpu.yield
      }) : () -> ()
    } else {
    }
    %barrier3A = arith.constant 0 : index
    tpu.barrier barrier_id(%barrier3A)
    %scan3A_18 = arith.constant 0 : i32
    %scan3A_19 = arith.constant 0 : i32
    %scan3A_20 = arith.constant 40 : i32
    %scan3A_21 = arith.addi %scan3A_19, %scan3A_20 : i32
    %scan3A_22 = arith.constant 1 : i32
    %scan3A_23 = scf.for %scan3A_37 = %scan3A_19 to %scan3A_21 step %scan3A_22 iter_args(%scan3A_38 = %scan3A_18) -> (i32)  : i32 {
      %dma_start3A = arith.constant 0 : i32
      %dma_start3A_39 = tpu.memref_slice %arg4[%scan3A_37, %dma_start3A] : memref<40x128xi32, #tpu.memory_space<vmem>> -> memref<1x128xi32, #tpu.memory_space<vmem>>
      %dma_start3A_40 = tpu.memref_squeeze %dma_start3A_39 : memref<1x128xi32, #tpu.memory_space<vmem>> -> memref<128xi32, #tpu.memory_space<vmem>>
      %dma_start3A_41 = arith.constant 0 : i32
      %dma_start3A_42 = arith.constant 0 : i32
      %dma_start3A_43 = tpu.memref_slice %arg7[%dma_start3A_41, %dma_start3A_42] : memref<10016x16xf32, #tpu.memory_space<vmem_shared>> -> memref<10016x16xf32, #tpu.memory_space<vmem_shared>>
      tpu.enqueue_indirect_dma source(%arg5 : memref<128x16xf32, #tpu.memory_space<vmem>>) target(%dma_start3A_43 : memref<10016x16xf32, #tpu.memory_space<vmem_shared>>) offsets(%dma_start3A_40 : memref<128xi32, #tpu.memory_space<vmem>>) semaphore(%arg8 : memref<!tpu.dma_semaphore, #tpu.memory_space<semaphore_mem>>) {add = true}
      %scan3A_44 = arith.constant 0 : i32
      scf.yield %scan3A_44 : i32
    }
    %scan3A_24 = arith.constant 40 : i32
    %scan3A_25 = arith.constant 0 : i32
    %scan3A_26 = arith.constant 0 : i32
    %scan3A_27 = arith.constant 40 : i32
    %scan3A_28 = arith.addi %scan3A_26, %scan3A_27 : i32
    %scan3A_29 = arith.constant 1 : i32
    %scan3A_30 = scf.for %scan3A_37 = %scan3A_26 to %scan3A_28 step %scan3A_29 iter_args(%scan3A_38 = %scan3A_25) -> (i32)  : i32 {
      %dma_wait3A = arith.constant 0 : i32
      %dma_wait3A_39 = arith.constant 0 : i32
      %dma_wait3A_40 = tpu.memref_slice %arg4[%dma_wait3A, %dma_wait3A_39] : memref<40x128xi32, #tpu.memory_space<vmem>> -> memref<1x128xi32, #tpu.memory_space<vmem>>
      %dma_wait3A_41 = tpu.memref_squeeze %dma_wait3A_40 : memref<1x128xi32, #tpu.memory_space<vmem>> -> memref<128xi32, #tpu.memory_space<vmem>>
      %dma_wait3A_42 = arith.constant 0 : i32
      %dma_wait3A_43 = arith.constant 0 : i32
      %dma_wait3A_44 = tpu.memref_slice %arg7[%dma_wait3A_42, %dma_wait3A_43] : memref<10016x16xf32, #tpu.memory_space<vmem_shared>> -> memref<10016x16xf32, #tpu.memory_space<vmem_shared>>
      tpu.wait_indirect_dma semaphore(%arg8 : memref<!tpu.dma_semaphore, #tpu.memory_space<semaphore_mem>>) src(%arg5 : memref<128x16xf32, #tpu.memory_space<vmem>>) dst(%dma_wait3A_44 : memref<10016x16xf32, #tpu.memory_space<vmem_shared>>)
      %scan3A_45 = arith.constant 0 : i32
      scf.yield %scan3A_45 : i32
    }
    %scan3A_31 = arith.constant 40 : i32
    %barrier3A_32 = arith.constant 0 : index
    tpu.barrier barrier_id(%barrier3A_32)
    %mul3A_33 = arith.constant 625 : i32
    %mul3A_34 = arith.muli %arg1, %mul3A_33 : i32
    %mul3A_35 = arith.constant 625 : i32
    %mul3A_36 = arith.muli %arg1, %mul3A_35 : i32
    "tpu.region"() ({
      %run_scoped3A_37 = tpu.sem_alloc : memref<!tpu.dma_semaphore, #tpu.memory_space<semaphore_mem>>
      %dma_start3A = arith.constant 0 : i32
      %dma_start3A_38 = tpu.memref_slice %arg3[%arg0, %mul3A_36, %dma_start3A] : memref<2x10000x16xf32, #tpu.memory_space<hbm>> -> memref<1x625x16xf32, #tpu.memory_space<hbm>>
      %dma_start3A_39 = tpu.memref_squeeze %dma_start3A_38 : memref<1x625x16xf32, #tpu.memory_space<hbm>> -> memref<625x16xf32, #tpu.memory_space<hbm>>
      %dma_start3A_40 = arith.constant 0 : i32
      %dma_start3A_41 = tpu.memref_slice %arg7[%mul3A_34, %dma_start3A_40] : memref<10016x16xf32, #tpu.memory_space<vmem_shared>> -> memref<625x16xf32, #tpu.memory_space<vmem_shared>>
      tpu.enqueue_dma source(%dma_start3A_41 : memref<625x16xf32, #tpu.memory_space<vmem_shared>>) target(%dma_start3A_39 : memref<625x16xf32, #tpu.memory_space<hbm>>) target_semaphore(%run_scoped3A_37 : memref<!tpu.dma_semaphore, #tpu.memory_space<semaphore_mem>>)
      %dma_wait3A = arith.constant 0 : i32
      %dma_wait3A_42 = tpu.memref_slice %arg3[%arg0, %mul3A_36, %dma_wait3A] : memref<2x10000x16xf32, #tpu.memory_space<hbm>> -> memref<1x625x16xf32, #tpu.memory_space<hbm>>
      %dma_wait3A_43 = tpu.memref_squeeze %dma_wait3A_42 : memref<1x625x16xf32, #tpu.memory_space<hbm>> -> memref<625x16xf32, #tpu.memory_space<hbm>>
      %dma_wait3A_44 = arith.constant 0 : i32
      %dma_wait3A_45 = tpu.memref_slice %arg7[%mul3A_34, %dma_wait3A_44] : memref<10016x16xf32, #tpu.memory_space<vmem_shared>> -> memref<625x16xf32, #tpu.memory_space<vmem_shared>>
      tpu.wait_dma2 semaphore(%run_scoped3A_37 : memref<!tpu.dma_semaphore, #tpu.memory_space<semaphore_mem>>) src(%dma_wait3A_45 : memref<625x16xf32, #tpu.memory_space<vmem_shared>>) dst(%dma_wait3A_43 : memref<625x16xf32, #tpu.memory_space<hbm>>)
      tpu.yield
    }) : () -> ()
    return
  }
}

#map = affine_map<(d0, d1) -> (0, 0)>
#map1 = affine_map<(d0, d1) -> (0, 0, 0, 0)>
#map2 = affine_map<(d0, d1) -> (0, 0, 0)>
module attributes {stable_mosaic.version = 14 : i64} {
  func.func @_sc_scatter_body(%arg0: i32, %arg1: i32, %arg2: memref<10000x128xbf16, #tpu.memory_space<hbm>>, %arg3: memref<2x32x40x128xi32, #tpu.memory_space<hbm>>, %arg4: memref<2x10000x128xbf16, #tpu.memory_space<hbm>>, %arg5: memref<40x128xi32, #tpu.memory_space<vmem>>, %arg6: memref<40x128xi32, #tpu.memory_space<vmem>>, %arg7: memref<128x128xbf16, #tpu.memory_space<vmem>>, %arg8: memref<128x128xbf16, #tpu.memory_space<vmem>>, %arg9: memref<128x128xbf16, #tpu.memory_space<vmem>>, %arg10: memref<128x128xbf16, #tpu.memory_space<vmem>>, %arg11: memref<10016x128xbf16, #tpu.memory_space<vmem_shared>>, %arg12: memref<10000x128xbf16, #tpu.memory_space<vmem_shared>>, %arg13: memref<!tpu.dma_semaphore, #tpu.memory_space<semaphore_mem>>, %arg14: memref<!tpu.dma_semaphore, #tpu.memory_space<semaphore_mem>>, %arg15: memref<!tpu.dma_semaphore, #tpu.memory_space<semaphore_mem>>, %arg16: memref<!tpu.dma_semaphore, #tpu.memory_space<semaphore_mem>>, %arg17: memref<!tpu.dma_semaphore, #tpu.memory_space<semaphore_mem>>, %arg18: memref<!tpu.dma_semaphore, #tpu.memory_space<semaphore_mem>>, %arg19: memref<!tpu.dma_semaphore, #tpu.memory_space<semaphore_mem>>, %arg20: memref<!tpu.dma_semaphore, #tpu.memory_space<semaphore_mem>>) attributes {dimension_semantics = [#tpu.dimension_semantics<core_parallel>, #tpu.dimension_semantics<subcore_parallel>], iteration_bounds = array<i64: 2, 16>, scalar_prefetch = 0 : i64, scratch_operands = 16 : i64, tpu.core_type = #tpu.core_type<sc_vector_subcore>, window_params = [{transform_indices = #map}, {transform_indices = #map1}, {transform_indices = #map2}]} {
    %mul3A = arith.constant 16 : i32
    %mul3A_0 = arith.muli %arg0, %mul3A : i32
    %add3A = arith.addi %mul3A_0, %arg1 : i32
    %scan3A = arith.constant 0 : i32
    %scan3A_1 = arith.constant 0 : i32
    %scan3A_2 = arith.constant 128 : i32
    %scan3A_3 = arith.addi %scan3A_1, %scan3A_2 : i32
    %scan3A_4 = arith.constant 1 : i32
    %scan3A_5 = scf.for %scan3A_100 = %scan3A_1 to %scan3A_3 step %scan3A_4 iter_args(%scan3A_101 = %scan3A) -> (i32)  : i32 {
      %scan3A_102 = arith.constant 0 : i32
      %scan3A_103 = arith.constant 0 : i32
      %scan3A_104 = arith.constant 4 : i32
      %scan3A_105 = arith.addi %scan3A_103, %scan3A_104 : i32
      %scan3A_106 = arith.constant 1 : i32
      %scan3A_107 = scf.for %scan3A_110 = %scan3A_103 to %scan3A_105 step %scan3A_106 iter_args(%scan3A_111 = %scan3A_102) -> (i32)  : i32 {
        %broadcast_in_dim3A = arith.constant 0.000000e+00 : bf16
        %broadcast_in_dim3A_112 = vector.broadcast %broadcast_in_dim3A : bf16 to vector<32xbf16>
        %mul3A_113 = arith.constant 32 : i32
        %mul3A_114 = arith.muli %scan3A_110, %mul3A_113 : i32
        %swap3A = arith.index_cast %scan3A_100 : i32 to index
        %swap3A_115 = arith.index_cast %mul3A_114 : i32 to index
        %swap3A_116 = tpu.vector_load %arg7[%swap3A, %swap3A_115] {strides = array<i32>} : memref<128x128xbf16, #tpu.memory_space<vmem>>, vector<1x32xbf16>,
        %swap3A_117 = vector.shape_cast %swap3A_116 : vector<1x32xbf16> to vector<32xbf16>
        %swap3A_118 = vector.shape_cast %broadcast_in_dim3A_112 : vector<32xbf16> to vector<1x32xbf16>
        tpu.vector_store %arg7[%swap3A, %swap3A_115], %swap3A_118 {strides = array<i32>} : memref<128x128xbf16, #tpu.memory_space<vmem>>, vector<1x32xbf16>,
        %scan3A_119 = arith.constant 0 : i32
        scf.yield %scan3A_119 : i32
      }
      %scan3A_108 = arith.constant 4 : i32
      %scan3A_109 = arith.constant 0 : i32
      scf.yield %scan3A_109 : i32
    }
    %scan3A_6 = arith.constant 128 : i32
    %run_scoped3A = arith.constant 0 : i32
    "tpu.region"() ({
      %run_scoped3A_100 = tpu.sem_alloc : memref<!tpu.dma_semaphore, #tpu.memory_space<semaphore_mem>>
      %dma_start3A_101 = arith.constant 0 : i32
      %dma_start3A_102 = arith.constant 0 : i32
      %dma_start3A_103 = tpu.memref_slice %arg3[%run_scoped3A, %add3A, %dma_start3A_101, %dma_start3A_102] : memref<2x32x40x128xi32, #tpu.memory_space<hbm>> -> memref<1x1x40x128xi32, #tpu.memory_space<hbm>>
      %dma_start3A_104 = tpu.memref_squeeze %dma_start3A_103 : memref<1x1x40x128xi32, #tpu.memory_space<hbm>> -> memref<40x128xi32, #tpu.memory_space<hbm>>
      %dma_start3A_105 = arith.constant 0 : i32
      %dma_start3A_106 = arith.constant 0 : i32
      %dma_start3A_107 = tpu.memref_slice %arg3[%run_scoped3A, %add3A, %dma_start3A_105, %dma_start3A_106] : memref<2x32x40x128xi32, #tpu.memory_space<hbm>> -> memref<1x1x40x128xi32, #tpu.memory_space<hbm>>
      %dma_start3A_108 = tpu.memref_squeeze %dma_start3A_107 : memref<1x1x40x128xi32, #tpu.memory_space<hbm>> -> memref<40x128xi32, #tpu.memory_space<hbm>>
      tpu.enqueue_dma source(%dma_start3A_108 : memref<40x128xi32, #tpu.memory_space<hbm>>) target(%arg5 : memref<40x128xi32, #tpu.memory_space<vmem>>) target_semaphore(%run_scoped3A_100 : memref<!tpu.dma_semaphore, #tpu.memory_space<semaphore_mem>>)
      %dma_wait3A_109 = arith.constant 0 : i32
      %dma_wait3A_110 = arith.constant 0 : i32
      %dma_wait3A_111 = tpu.memref_slice %arg3[%run_scoped3A, %add3A, %dma_wait3A_109, %dma_wait3A_110] : memref<2x32x40x128xi32, #tpu.memory_space<hbm>> -> memref<1x1x40x128xi32, #tpu.memory_space<hbm>>
      %dma_wait3A_112 = tpu.memref_squeeze %dma_wait3A_111 : memref<1x1x40x128xi32, #tpu.memory_space<hbm>> -> memref<40x128xi32, #tpu.memory_space<hbm>>
      %dma_wait3A_113 = arith.constant 0 : i32
      %dma_wait3A_114 = arith.constant 0 : i32
      %dma_wait3A_115 = tpu.memref_slice %arg3[%run_scoped3A, %add3A, %dma_wait3A_113, %dma_wait3A_114] : memref<2x32x40x128xi32, #tpu.memory_space<hbm>> -> memref<1x1x40x128xi32, #tpu.memory_space<hbm>>
      %dma_wait3A_116 = tpu.memref_squeeze %dma_wait3A_115 : memref<1x1x40x128xi32, #tpu.memory_space<hbm>> -> memref<40x128xi32, #tpu.memory_space<hbm>>
      tpu.wait_dma2 semaphore(%run_scoped3A_100 : memref<!tpu.dma_semaphore, #tpu.memory_space<semaphore_mem>>) src(%dma_wait3A_116 : memref<40x128xi32, #tpu.memory_space<hbm>>) dst(%arg5 : memref<40x128xi32, #tpu.memory_space<vmem>>)
      tpu.yield
    }) : () -> ()
    %run_scoped3A_7 = arith.constant 1 : i32
    "tpu.region"() ({
      %run_scoped3A_100 = tpu.sem_alloc : memref<!tpu.dma_semaphore, #tpu.memory_space<semaphore_mem>>
      %dma_start3A_101 = arith.constant 0 : i32
      %dma_start3A_102 = arith.constant 0 : i32
      %dma_start3A_103 = tpu.memref_slice %arg3[%run_scoped3A_7, %add3A, %dma_start3A_101, %dma_start3A_102] : memref<2x32x40x128xi32, #tpu.memory_space<hbm>> -> memref<1x1x40x128xi32, #tpu.memory_space<hbm>>
      %dma_start3A_104 = tpu.memref_squeeze %dma_start3A_103 : memref<1x1x40x128xi32, #tpu.memory_space<hbm>> -> memref<40x128xi32, #tpu.memory_space<hbm>>
      %dma_start3A_105 = arith.constant 0 : i32
      %dma_start3A_106 = arith.constant 0 : i32
      %dma_start3A_107 = tpu.memref_slice %arg3[%run_scoped3A_7, %add3A, %dma_start3A_105, %dma_start3A_106] : memref<2x32x40x128xi32, #tpu.memory_space<hbm>> -> memref<1x1x40x128xi32, #tpu.memory_space<hbm>>
      %dma_start3A_108 = tpu.memref_squeeze %dma_start3A_107 : memref<1x1x40x128xi32, #tpu.memory_space<hbm>> -> memref<40x128xi32, #tpu.memory_space<hbm>>
      tpu.enqueue_dma source(%dma_start3A_108 : memref<40x128xi32, #tpu.memory_space<hbm>>) target(%arg6 : memref<40x128xi32, #tpu.memory_space<vmem>>) target_semaphore(%run_scoped3A_100 : memref<!tpu.dma_semaphore, #tpu.memory_space<semaphore_mem>>)
      %dma_wait3A_109 = arith.constant 0 : i32
      %dma_wait3A_110 = arith.constant 0 : i32
      %dma_wait3A_111 = tpu.memref_slice %arg3[%run_scoped3A_7, %add3A, %dma_wait3A_109, %dma_wait3A_110] : memref<2x32x40x128xi32, #tpu.memory_space<hbm>> -> memref<1x1x40x128xi32, #tpu.memory_space<hbm>>
      %dma_wait3A_112 = tpu.memref_squeeze %dma_wait3A_111 : memref<1x1x40x128xi32, #tpu.memory_space<hbm>> -> memref<40x128xi32, #tpu.memory_space<hbm>>
      %dma_wait3A_113 = arith.constant 0 : i32
      %dma_wait3A_114 = arith.constant 0 : i32
      %dma_wait3A_115 = tpu.memref_slice %arg3[%run_scoped3A_7, %add3A, %dma_wait3A_113, %dma_wait3A_114] : memref<2x32x40x128xi32, #tpu.memory_space<hbm>> -> memref<1x1x40x128xi32, #tpu.memory_space<hbm>>
      %dma_wait3A_116 = tpu.memref_squeeze %dma_wait3A_115 : memref<1x1x40x128xi32, #tpu.memory_space<hbm>> -> memref<40x128xi32, #tpu.memory_space<hbm>>
      tpu.wait_dma2 semaphore(%run_scoped3A_100 : memref<!tpu.dma_semaphore, #tpu.memory_space<semaphore_mem>>) src(%dma_wait3A_116 : memref<40x128xi32, #tpu.memory_space<hbm>>) dst(%arg6 : memref<40x128xi32, #tpu.memory_space<vmem>>)
      tpu.yield
    }) : () -> ()
    %mul3A_8 = arith.constant 625 : i32
    %mul3A_9 = arith.muli %arg1, %mul3A_8 : i32
    %mul3A_10 = arith.constant 625 : i32
    %mul3A_11 = arith.muli %arg1, %mul3A_10 : i32
    "tpu.region"() ({
      %run_scoped3A_100 = tpu.sem_alloc : memref<!tpu.dma_semaphore, #tpu.memory_space<semaphore_mem>>
      %dma_start3A_101 = arith.constant 0 : i32
      %dma_start3A_102 = tpu.memref_slice %arg12[%mul3A_11, %dma_start3A_101] : memref<10000x128xbf16, #tpu.memory_space<vmem_shared>> -> memref<625x128xbf16, #tpu.memory_space<vmem_shared>>
      %dma_start3A_103 = arith.constant 0 : i32
      %dma_start3A_104 = tpu.memref_slice %arg2[%mul3A_9, %dma_start3A_103] : memref<10000x128xbf16, #tpu.memory_space<hbm>> -> memref<625x128xbf16, #tpu.memory_space<hbm>>
      tpu.enqueue_dma source(%dma_start3A_104 : memref<625x128xbf16, #tpu.memory_space<hbm>>) target(%dma_start3A_102 : memref<625x128xbf16, #tpu.memory_space<vmem_shared>>) target_semaphore(%run_scoped3A_100 : memref<!tpu.dma_semaphore, #tpu.memory_space<semaphore_mem>>)
      %dma_wait3A_105 = arith.constant 0 : i32
      %dma_wait3A_106 = tpu.memref_slice %arg12[%mul3A_11, %dma_wait3A_105] : memref<10000x128xbf16, #tpu.memory_space<vmem_shared>> -> memref<625x128xbf16, #tpu.memory_space<vmem_shared>>
      %dma_wait3A_107 = arith.constant 0 : i32
      %dma_wait3A_108 = tpu.memref_slice %arg2[%mul3A_9, %dma_wait3A_107] : memref<10000x128xbf16, #tpu.memory_space<hbm>> -> memref<625x128xbf16, #tpu.memory_space<hbm>>
      tpu.wait_dma2 semaphore(%run_scoped3A_100 : memref<!tpu.dma_semaphore, #tpu.memory_space<semaphore_mem>>) src(%dma_wait3A_108 : memref<625x128xbf16, #tpu.memory_space<hbm>>) dst(%dma_wait3A_106 : memref<625x128xbf16, #tpu.memory_space<vmem_shared>>)
      tpu.yield
    }) : () -> ()
    %mul3A_12 = arith.constant 625 : i32
    %mul3A_13 = arith.muli %arg1, %mul3A_12 : i32
    %add3A_14 = arith.constant 0 : i32
    %add3A_15 = arith.addi %mul3A_13, %add3A_14 : i32
    "tpu.region"() ({
      %run_scoped3A_100 = tpu.sem_alloc : memref<!tpu.dma_semaphore, #tpu.memory_space<semaphore_mem>>
      %dma_start3A_101 = arith.constant 0 : i32
      %dma_start3A_102 = tpu.memref_slice %arg11[%add3A_15, %dma_start3A_101] : memref<10016x128xbf16, #tpu.memory_space<vmem_shared>> -> memref<128x128xbf16, #tpu.memory_space<vmem_shared>>
      %dma_start3A_103 = arith.constant 0 : i32
      %dma_start3A_104 = tpu.memref_slice %arg11[%add3A_15, %dma_start3A_103] : memref<10016x128xbf16, #tpu.memory_space<vmem_shared>> -> memref<128x128xbf16, #tpu.memory_space<vmem_shared>>
      tpu.enqueue_dma source(%arg7 : memref<128x128xbf16, #tpu.memory_space<vmem>>) target(%dma_start3A_104 : memref<128x128xbf16, #tpu.memory_space<vmem_shared>>) target_semaphore(%run_scoped3A_100 : memref<!tpu.dma_semaphore, #tpu.memory_space<semaphore_mem>>)
      %dma_wait3A_105 = arith.constant 0 : i32
      %dma_wait3A_106 = tpu.memref_slice %arg11[%add3A_15, %dma_wait3A_105] : memref<10016x128xbf16, #tpu.memory_space<vmem_shared>> -> memref<128x128xbf16, #tpu.memory_space<vmem_shared>>
      %dma_wait3A_107 = arith.constant 0 : i32
      %dma_wait3A_108 = tpu.memref_slice %arg11[%add3A_15, %dma_wait3A_107] : memref<10016x128xbf16, #tpu.memory_space<vmem_shared>> -> memref<128x128xbf16, #tpu.memory_space<vmem_shared>>
      tpu.wait_dma2 semaphore(%run_scoped3A_100 : memref<!tpu.dma_semaphore, #tpu.memory_space<semaphore_mem>>) src(%arg7 : memref<128x128xbf16, #tpu.memory_space<vmem>>) dst(%dma_wait3A_108 : memref<128x128xbf16, #tpu.memory_space<vmem_shared>>)
      tpu.yield
    }) : () -> ()
    %mul3A_16 = arith.constant 625 : i32
    %mul3A_17 = arith.muli %arg1, %mul3A_16 : i32
    %add3A_18 = arith.constant 128 : i32
    %add3A_19 = arith.addi %mul3A_17, %add3A_18 : i32
    "tpu.region"() ({
      %run_scoped3A_100 = tpu.sem_alloc : memref<!tpu.dma_semaphore, #tpu.memory_space<semaphore_mem>>
      %dma_start3A_101 = arith.constant 0 : i32
      %dma_start3A_102 = tpu.memref_slice %arg11[%add3A_19, %dma_start3A_101] : memref<10016x128xbf16, #tpu.memory_space<vmem_shared>> -> memref<128x128xbf16, #tpu.memory_space<vmem_shared>>
      %dma_start3A_103 = arith.constant 0 : i32
      %dma_start3A_104 = tpu.memref_slice %arg11[%add3A_19, %dma_start3A_103] : memref<10016x128xbf16, #tpu.memory_space<vmem_shared>> -> memref<128x128xbf16, #tpu.memory_space<vmem_shared>>
      tpu.enqueue_dma source(%arg7 : memref<128x128xbf16, #tpu.memory_space<vmem>>) target(%dma_start3A_104 : memref<128x128xbf16, #tpu.memory_space<vmem_shared>>) target_semaphore(%run_scoped3A_100 : memref<!tpu.dma_semaphore, #tpu.memory_space<semaphore_mem>>)
      %dma_wait3A_105 = arith.constant 0 : i32
      %dma_wait3A_106 = tpu.memref_slice %arg11[%add3A_19, %dma_wait3A_105] : memref<10016x128xbf16, #tpu.memory_space<vmem_shared>> -> memref<128x128xbf16, #tpu.memory_space<vmem_shared>>
      %dma_wait3A_107 = arith.constant 0 : i32
      %dma_wait3A_108 = tpu.memref_slice %arg11[%add3A_19, %dma_wait3A_107] : memref<10016x128xbf16, #tpu.memory_space<vmem_shared>> -> memref<128x128xbf16, #tpu.memory_space<vmem_shared>>
      tpu.wait_dma2 semaphore(%run_scoped3A_100 : memref<!tpu.dma_semaphore, #tpu.memory_space<semaphore_mem>>) src(%arg7 : memref<128x128xbf16, #tpu.memory_space<vmem>>) dst(%dma_wait3A_108 : memref<128x128xbf16, #tpu.memory_space<vmem_shared>>)
      tpu.yield
    }) : () -> ()
    %mul3A_20 = arith.constant 625 : i32
    %mul3A_21 = arith.muli %arg1, %mul3A_20 : i32
    %add3A_22 = arith.constant 256 : i32
    %add3A_23 = arith.addi %mul3A_21, %add3A_22 : i32
    "tpu.region"() ({
      %run_scoped3A_100 = tpu.sem_alloc : memref<!tpu.dma_semaphore, #tpu.memory_space<semaphore_mem>>
      %dma_start3A_101 = arith.constant 0 : i32
      %dma_start3A_102 = tpu.memref_slice %arg11[%add3A_23, %dma_start3A_101] : memref<10016x128xbf16, #tpu.memory_space<vmem_shared>> -> memref<128x128xbf16, #tpu.memory_space<vmem_shared>>
      %dma_start3A_103 = arith.constant 0 : i32
      %dma_start3A_104 = tpu.memref_slice %arg11[%add3A_23, %dma_start3A_103] : memref<10016x128xbf16, #tpu.memory_space<vmem_shared>> -> memref<128x128xbf16, #tpu.memory_space<vmem_shared>>
      tpu.enqueue_dma source(%arg7 : memref<128x128xbf16, #tpu.memory_space<vmem>>) target(%dma_start3A_104 : memref<128x128xbf16, #tpu.memory_space<vmem_shared>>) target_semaphore(%run_scoped3A_100 : memref<!tpu.dma_semaphore, #tpu.memory_space<semaphore_mem>>)
      %dma_wait3A_105 = arith.constant 0 : i32
      %dma_wait3A_106 = tpu.memref_slice %arg11[%add3A_23, %dma_wait3A_105] : memref<10016x128xbf16, #tpu.memory_space<vmem_shared>> -> memref<128x128xbf16, #tpu.memory_space<vmem_shared>>
      %dma_wait3A_107 = arith.constant 0 : i32
      %dma_wait3A_108 = tpu.memref_slice %arg11[%add3A_23, %dma_wait3A_107] : memref<10016x128xbf16, #tpu.memory_space<vmem_shared>> -> memref<128x128xbf16, #tpu.memory_space<vmem_shared>>
      tpu.wait_dma2 semaphore(%run_scoped3A_100 : memref<!tpu.dma_semaphore, #tpu.memory_space<semaphore_mem>>) src(%arg7 : memref<128x128xbf16, #tpu.memory_space<vmem>>) dst(%dma_wait3A_108 : memref<128x128xbf16, #tpu.memory_space<vmem_shared>>)
      tpu.yield
    }) : () -> ()
    %mul3A_24 = arith.constant 625 : i32
    %mul3A_25 = arith.muli %arg1, %mul3A_24 : i32
    %add3A_26 = arith.constant 384 : i32
    %add3A_27 = arith.addi %mul3A_25, %add3A_26 : i32
    "tpu.region"() ({
      %run_scoped3A_100 = tpu.sem_alloc : memref<!tpu.dma_semaphore, #tpu.memory_space<semaphore_mem>>
      %dma_start3A_101 = arith.constant 0 : i32
      %dma_start3A_102 = tpu.memref_slice %arg11[%add3A_27, %dma_start3A_101] : memref<10016x128xbf16, #tpu.memory_space<vmem_shared>> -> memref<128x128xbf16, #tpu.memory_space<vmem_shared>>
      %dma_start3A_103 = arith.constant 0 : i32
      %dma_start3A_104 = tpu.memref_slice %arg11[%add3A_27, %dma_start3A_103] : memref<10016x128xbf16, #tpu.memory_space<vmem_shared>> -> memref<128x128xbf16, #tpu.memory_space<vmem_shared>>
      tpu.enqueue_dma source(%arg7 : memref<128x128xbf16, #tpu.memory_space<vmem>>) target(%dma_start3A_104 : memref<128x128xbf16, #tpu.memory_space<vmem_shared>>) target_semaphore(%run_scoped3A_100 : memref<!tpu.dma_semaphore, #tpu.memory_space<semaphore_mem>>)
      %dma_wait3A_105 = arith.constant 0 : i32
      %dma_wait3A_106 = tpu.memref_slice %arg11[%add3A_27, %dma_wait3A_105] : memref<10016x128xbf16, #tpu.memory_space<vmem_shared>> -> memref<128x128xbf16, #tpu.memory_space<vmem_shared>>
      %dma_wait3A_107 = arith.constant 0 : i32
      %dma_wait3A_108 = tpu.memref_slice %arg11[%add3A_27, %dma_wait3A_107] : memref<10016x128xbf16, #tpu.memory_space<vmem_shared>> -> memref<128x128xbf16, #tpu.memory_space<vmem_shared>>
      tpu.wait_dma2 semaphore(%run_scoped3A_100 : memref<!tpu.dma_semaphore, #tpu.memory_space<semaphore_mem>>) src(%arg7 : memref<128x128xbf16, #tpu.memory_space<vmem>>) dst(%dma_wait3A_108 : memref<128x128xbf16, #tpu.memory_space<vmem_shared>>)
      tpu.yield
    }) : () -> ()
    %mul3A_28 = arith.constant 625 : i32
    %mul3A_29 = arith.muli %arg1, %mul3A_28 : i32
    %add3A_30 = arith.constant 512 : i32
    %add3A_31 = arith.addi %mul3A_29, %add3A_30 : i32
    "tpu.region"() ({
      %run_scoped3A_100 = tpu.sem_alloc : memref<!tpu.dma_semaphore, #tpu.memory_space<semaphore_mem>>
      %dma_start3A_101 = arith.constant 0 : i32
      %dma_start3A_102 = arith.constant 0 : i32
      %dma_start3A_103 = tpu.memref_slice %arg7[%dma_start3A_101, %dma_start3A_102] : memref<128x128xbf16, #tpu.memory_space<vmem>> -> memref<113x128xbf16, #tpu.memory_space<vmem>>
      %dma_start3A_104 = arith.constant 0 : i32
      %dma_start3A_105 = tpu.memref_slice %arg11[%add3A_31, %dma_start3A_104] : memref<10016x128xbf16, #tpu.memory_space<vmem_shared>> -> memref<113x128xbf16, #tpu.memory_space<vmem_shared>>
      %dma_start3A_106 = arith.constant 0 : i32
      %dma_start3A_107 = tpu.memref_slice %arg11[%add3A_31, %dma_start3A_106] : memref<10016x128xbf16, #tpu.memory_space<vmem_shared>> -> memref<113x128xbf16, #tpu.memory_space<vmem_shared>>
      %dma_start3A_108 = arith.constant 0 : i32
      %dma_start3A_109 = arith.constant 0 : i32
      %dma_start3A_110 = tpu.memref_slice %arg7[%dma_start3A_108, %dma_start3A_109] : memref<128x128xbf16, #tpu.memory_space<vmem>> -> memref<113x128xbf16, #tpu.memory_space<vmem>>
      tpu.enqueue_dma source(%dma_start3A_110 : memref<113x128xbf16, #tpu.memory_space<vmem>>) target(%dma_start3A_107 : memref<113x128xbf16, #tpu.memory_space<vmem_shared>>) target_semaphore(%run_scoped3A_100 : memref<!tpu.dma_semaphore, #tpu.memory_space<semaphore_mem>>)
      %dma_wait3A_111 = arith.constant 0 : i32
      %dma_wait3A_112 = arith.constant 0 : i32
      %dma_wait3A_113 = tpu.memref_slice %arg7[%dma_wait3A_111, %dma_wait3A_112] : memref<128x128xbf16, #tpu.memory_space<vmem>> -> memref<113x128xbf16, #tpu.memory_space<vmem>>
      %dma_wait3A_114 = arith.constant 0 : i32
      %dma_wait3A_115 = tpu.memref_slice %arg11[%add3A_31, %dma_wait3A_114] : memref<10016x128xbf16, #tpu.memory_space<vmem_shared>> -> memref<113x128xbf16, #tpu.memory_space<vmem_shared>>
      %dma_wait3A_116 = arith.constant 0 : i32
      %dma_wait3A_117 = tpu.memref_slice %arg11[%add3A_31, %dma_wait3A_116] : memref<10016x128xbf16, #tpu.memory_space<vmem_shared>> -> memref<113x128xbf16, #tpu.memory_space<vmem_shared>>
      %dma_wait3A_118 = arith.constant 0 : i32
      %dma_wait3A_119 = arith.constant 0 : i32
      %dma_wait3A_120 = tpu.memref_slice %arg7[%dma_wait3A_118, %dma_wait3A_119] : memref<128x128xbf16, #tpu.memory_space<vmem>> -> memref<113x128xbf16, #tpu.memory_space<vmem>>
      tpu.wait_dma2 semaphore(%run_scoped3A_100 : memref<!tpu.dma_semaphore, #tpu.memory_space<semaphore_mem>>) src(%dma_wait3A_120 : memref<113x128xbf16, #tpu.memory_space<vmem>>) dst(%dma_wait3A_117 : memref<113x128xbf16, #tpu.memory_space<vmem_shared>>)
      tpu.yield
    }) : () -> ()
    %eq3A = arith.constant 15 : i32
    %eq3A_32 = arith.cmpi eq, %arg1, %eq3A : i32
    %convert_element_type3A = arith.extui %eq3A_32 : i1 to i32
    %cond3A = arith.constant 0 : i32
    %cond3A_33 = arith.cmpi ne, %convert_element_type3A, %cond3A : i32
    scf.if %cond3A_33 {
      "tpu.region"() ({
        %run_scoped3A_100 = tpu.sem_alloc : memref<!tpu.dma_semaphore, #tpu.memory_space<semaphore_mem>>
        %dma_start3A_101 = arith.constant 0 : i32
        %dma_start3A_102 = arith.constant 0 : i32
        %dma_start3A_103 = tpu.memref_slice %arg7[%dma_start3A_101, %dma_start3A_102] : memref<128x128xbf16, #tpu.memory_space<vmem>> -> memref<16x128xbf16, #tpu.memory_space<vmem>>
        %dma_start3A_104 = arith.constant 10000 : i32
        %dma_start3A_105 = arith.constant 0 : i32
        %dma_start3A_106 = tpu.memref_slice %arg11[%dma_start3A_104, %dma_start3A_105] : memref<10016x128xbf16, #tpu.memory_space<vmem_shared>> -> memref<16x128xbf16, #tpu.memory_space<vmem_shared>>
        %dma_start3A_107 = arith.constant 10000 : i32
        %dma_start3A_108 = arith.constant 0 : i32
        %dma_start3A_109 = tpu.memref_slice %arg11[%dma_start3A_107, %dma_start3A_108] : memref<10016x128xbf16, #tpu.memory_space<vmem_shared>> -> memref<16x128xbf16, #tpu.memory_space<vmem_shared>>
        %dma_start3A_110 = arith.constant 0 : i32
        %dma_start3A_111 = arith.constant 0 : i32
        %dma_start3A_112 = tpu.memref_slice %arg7[%dma_start3A_110, %dma_start3A_111] : memref<128x128xbf16, #tpu.memory_space<vmem>> -> memref<16x128xbf16, #tpu.memory_space<vmem>>
        tpu.enqueue_dma source(%dma_start3A_112 : memref<16x128xbf16, #tpu.memory_space<vmem>>) target(%dma_start3A_109 : memref<16x128xbf16, #tpu.memory_space<vmem_shared>>) target_semaphore(%run_scoped3A_100 : memref<!tpu.dma_semaphore, #tpu.memory_space<semaphore_mem>>)
        %dma_wait3A_113 = arith.constant 0 : i32
        %dma_wait3A_114 = arith.constant 0 : i32
        %dma_wait3A_115 = tpu.memref_slice %arg7[%dma_wait3A_113, %dma_wait3A_114] : memref<128x128xbf16, #tpu.memory_space<vmem>> -> memref<16x128xbf16, #tpu.memory_space<vmem>>
        %dma_wait3A_116 = arith.constant 10000 : i32
        %dma_wait3A_117 = arith.constant 0 : i32
        %dma_wait3A_118 = tpu.memref_slice %arg11[%dma_wait3A_116, %dma_wait3A_117] : memref<10016x128xbf16, #tpu.memory_space<vmem_shared>> -> memref<16x128xbf16, #tpu.memory_space<vmem_shared>>
        %dma_wait3A_119 = arith.constant 10000 : i32
        %dma_wait3A_120 = arith.constant 0 : i32
        %dma_wait3A_121 = tpu.memref_slice %arg11[%dma_wait3A_119, %dma_wait3A_120] : memref<10016x128xbf16, #tpu.memory_space<vmem_shared>> -> memref<16x128xbf16, #tpu.memory_space<vmem_shared>>
        %dma_wait3A_122 = arith.constant 0 : i32
        %dma_wait3A_123 = arith.constant 0 : i32
        %dma_wait3A_124 = tpu.memref_slice %arg7[%dma_wait3A_122, %dma_wait3A_123] : memref<128x128xbf16, #tpu.memory_space<vmem>> -> memref<16x128xbf16, #tpu.memory_space<vmem>>
        tpu.wait_dma2 semaphore(%run_scoped3A_100 : memref<!tpu.dma_semaphore, #tpu.memory_space<semaphore_mem>>) src(%dma_wait3A_124 : memref<16x128xbf16, #tpu.memory_space<vmem>>) dst(%dma_wait3A_121 : memref<16x128xbf16, #tpu.memory_space<vmem_shared>>)
        tpu.yield
      }) : () -> ()
    } else {
    }
    %barrier3A = arith.constant 0 : index
    tpu.barrier barrier_id(%barrier3A)
    %dma_start3A = arith.constant 0 : i32
    %dma_start3A_34 = arith.constant 0 : i32
    %dma_start3A_35 = tpu.memref_slice %arg5[%dma_start3A, %dma_start3A_34] : memref<40x128xi32, #tpu.memory_space<vmem>> -> memref<1x128xi32, #tpu.memory_space<vmem>>
    %dma_start3A_36 = tpu.memref_squeeze %dma_start3A_35 : memref<1x128xi32, #tpu.memory_space<vmem>> -> memref<128xi32, #tpu.memory_space<vmem>>
    %dma_start3A_37 = arith.constant 0 : i32
    %dma_start3A_38 = arith.constant 0 : i32
    %dma_start3A_39 = tpu.memref_slice %arg12[%dma_start3A_37, %dma_start3A_38] : memref<10000x128xbf16, #tpu.memory_space<vmem_shared>> -> memref<10000x128xbf16, #tpu.memory_space<vmem_shared>>
    tpu.enqueue_indirect_dma source(%dma_start3A_39 : memref<10000x128xbf16, #tpu.memory_space<vmem_shared>>) target(%arg7 : memref<128x128xbf16, #tpu.memory_space<vmem>>) offsets(%dma_start3A_36 : memref<128xi32, #tpu.memory_space<vmem>>) semaphore(%arg13 : memref<!tpu.dma_semaphore, #tpu.memory_space<semaphore_mem>>)
    %dma_start3A_40 = arith.constant 1 : i32
    %dma_start3A_41 = arith.constant 0 : i32
    %dma_start3A_42 = tpu.memref_slice %arg5[%dma_start3A_40, %dma_start3A_41] : memref<40x128xi32, #tpu.memory_space<vmem>> -> memref<1x128xi32, #tpu.memory_space<vmem>>
    %dma_start3A_43 = tpu.memref_squeeze %dma_start3A_42 : memref<1x128xi32, #tpu.memory_space<vmem>> -> memref<128xi32, #tpu.memory_space<vmem>>
    %dma_start3A_44 = arith.constant 0 : i32
    %dma_start3A_45 = arith.constant 0 : i32
    %dma_start3A_46 = tpu.memref_slice %arg12[%dma_start3A_44, %dma_start3A_45] : memref<10000x128xbf16, #tpu.memory_space<vmem_shared>> -> memref<10000x128xbf16, #tpu.memory_space<vmem_shared>>
    tpu.enqueue_indirect_dma source(%dma_start3A_46 : memref<10000x128xbf16, #tpu.memory_space<vmem_shared>>) target(%arg8 : memref<128x128xbf16, #tpu.memory_space<vmem>>) offsets(%dma_start3A_43 : memref<128xi32, #tpu.memory_space<vmem>>) semaphore(%arg14 : memref<!tpu.dma_semaphore, #tpu.memory_space<semaphore_mem>>)
    %dma_start3A_47 = arith.constant 2 : i32
    %dma_start3A_48 = arith.constant 0 : i32
    %dma_start3A_49 = tpu.memref_slice %arg5[%dma_start3A_47, %dma_start3A_48] : memref<40x128xi32, #tpu.memory_space<vmem>> -> memref<1x128xi32, #tpu.memory_space<vmem>>
    %dma_start3A_50 = tpu.memref_squeeze %dma_start3A_49 : memref<1x128xi32, #tpu.memory_space<vmem>> -> memref<128xi32, #tpu.memory_space<vmem>>
    %dma_start3A_51 = arith.constant 0 : i32
    %dma_start3A_52 = arith.constant 0 : i32
    %dma_start3A_53 = tpu.memref_slice %arg12[%dma_start3A_51, %dma_start3A_52] : memref<10000x128xbf16, #tpu.memory_space<vmem_shared>> -> memref<10000x128xbf16, #tpu.memory_space<vmem_shared>>
    tpu.enqueue_indirect_dma source(%dma_start3A_53 : memref<10000x128xbf16, #tpu.memory_space<vmem_shared>>) target(%arg9 : memref<128x128xbf16, #tpu.memory_space<vmem>>) offsets(%dma_start3A_50 : memref<128xi32, #tpu.memory_space<vmem>>) semaphore(%arg15 : memref<!tpu.dma_semaphore, #tpu.memory_space<semaphore_mem>>)
    %dma_start3A_54 = arith.constant 3 : i32
    %dma_start3A_55 = arith.constant 0 : i32
    %dma_start3A_56 = tpu.memref_slice %arg5[%dma_start3A_54, %dma_start3A_55] : memref<40x128xi32, #tpu.memory_space<vmem>> -> memref<1x128xi32, #tpu.memory_space<vmem>>
    %dma_start3A_57 = tpu.memref_squeeze %dma_start3A_56 : memref<1x128xi32, #tpu.memory_space<vmem>> -> memref<128xi32, #tpu.memory_space<vmem>>
    %dma_start3A_58 = arith.constant 0 : i32
    %dma_start3A_59 = arith.constant 0 : i32
    %dma_start3A_60 = tpu.memref_slice %arg12[%dma_start3A_58, %dma_start3A_59] : memref<10000x128xbf16, #tpu.memory_space<vmem_shared>> -> memref<10000x128xbf16, #tpu.memory_space<vmem_shared>>
    tpu.enqueue_indirect_dma source(%dma_start3A_60 : memref<10000x128xbf16, #tpu.memory_space<vmem_shared>>) target(%arg10 : memref<128x128xbf16, #tpu.memory_space<vmem>>) offsets(%dma_start3A_57 : memref<128xi32, #tpu.memory_space<vmem>>) semaphore(%arg16 : memref<!tpu.dma_semaphore, #tpu.memory_space<semaphore_mem>>)
    %scan3A_61 = arith.constant 0 : i32
    %scan3A_62 = arith.constant 0 : i32
    %scan3A_63 = arith.constant 10 : i32
    %scan3A_64 = arith.addi %scan3A_62, %scan3A_63 : i32
    %scan3A_65 = arith.constant 1 : i32
    %scan3A_66 = scf.for %scan3A_100 = %scan3A_62 to %scan3A_64 step %scan3A_65 iter_args(%scan3A_101 = %scan3A_61) -> (i32)  : i32 {
      %mul3A_102 = arith.constant 4 : i32
      %mul3A_103 = arith.muli %mul3A_102, %scan3A_100 : i32
      %add3A_104 = arith.constant 0 : i32
      %add3A_105 = arith.addi %mul3A_103, %add3A_104 : i32
      %dma_wait3A_106 = arith.constant 0 : i32
      %dma_wait3A_107 = arith.constant 0 : i32
      %dma_wait3A_108 = tpu.memref_slice %arg5[%dma_wait3A_106, %dma_wait3A_107] : memref<40x128xi32, #tpu.memory_space<vmem>> -> memref<1x128xi32, #tpu.memory_space<vmem>>
      %dma_wait3A_109 = tpu.memref_squeeze %dma_wait3A_108 : memref<1x128xi32, #tpu.memory_space<vmem>> -> memref<128xi32, #tpu.memory_space<vmem>>
      %dma_wait3A_110 = arith.constant 0 : i32
      %dma_wait3A_111 = arith.constant 0 : i32
      %dma_wait3A_112 = tpu.memref_slice %arg12[%dma_wait3A_110, %dma_wait3A_111] : memref<10000x128xbf16, #tpu.memory_space<vmem_shared>> -> memref<10000x128xbf16, #tpu.memory_space<vmem_shared>>
      tpu.wait_indirect_dma semaphore(%arg13 : memref<!tpu.dma_semaphore, #tpu.memory_space<semaphore_mem>>) src(%dma_wait3A_112 : memref<10000x128xbf16, #tpu.memory_space<vmem_shared>>) dst(%arg7 : memref<128x128xbf16, #tpu.memory_space<vmem>>)
      %dma_start3A_113 = arith.constant 0 : i32
      %dma_start3A_114 = tpu.memref_slice %arg6[%add3A_105, %dma_start3A_113] : memref<40x128xi32, #tpu.memory_space<vmem>> -> memref<1x128xi32, #tpu.memory_space<vmem>>
      %dma_start3A_115 = tpu.memref_squeeze %dma_start3A_114 : memref<1x128xi32, #tpu.memory_space<vmem>> -> memref<128xi32, #tpu.memory_space<vmem>>
      %dma_start3A_116 = arith.constant 0 : i32
      %dma_start3A_117 = arith.constant 0 : i32
      %dma_start3A_118 = tpu.memref_slice %arg11[%dma_start3A_116, %dma_start3A_117] : memref<10016x128xbf16, #tpu.memory_space<vmem_shared>> -> memref<10016x128xbf16, #tpu.memory_space<vmem_shared>>
      tpu.enqueue_indirect_dma source(%arg7 : memref<128x128xbf16, #tpu.memory_space<vmem>>) target(%dma_start3A_118 : memref<10016x128xbf16, #tpu.memory_space<vmem_shared>>) offsets(%dma_start3A_115 : memref<128xi32, #tpu.memory_space<vmem>>) semaphore(%arg17 : memref<!tpu.dma_semaphore, #tpu.memory_space<semaphore_mem>>) {add = true}
      %mul3A_119 = arith.constant 4 : i32
      %mul3A_120 = arith.muli %mul3A_119, %scan3A_100 : i32
      %add3A_121 = arith.constant 1 : i32
      %add3A_122 = arith.addi %mul3A_120, %add3A_121 : i32
      %dma_wait3A_123 = arith.constant 0 : i32
      %dma_wait3A_124 = arith.constant 0 : i32
      %dma_wait3A_125 = tpu.memref_slice %arg5[%dma_wait3A_123, %dma_wait3A_124] : memref<40x128xi32, #tpu.memory_space<vmem>> -> memref<1x128xi32, #tpu.memory_space<vmem>>
      %dma_wait3A_126 = tpu.memref_squeeze %dma_wait3A_125 : memref<1x128xi32, #tpu.memory_space<vmem>> -> memref<128xi32, #tpu.memory_space<vmem>>
      %dma_wait3A_127 = arith.constant 0 : i32
      %dma_wait3A_128 = arith.constant 0 : i32
      %dma_wait3A_129 = tpu.memref_slice %arg12[%dma_wait3A_127, %dma_wait3A_128] : memref<10000x128xbf16, #tpu.memory_space<vmem_shared>> -> memref<10000x128xbf16, #tpu.memory_space<vmem_shared>>
      tpu.wait_indirect_dma semaphore(%arg14 : memref<!tpu.dma_semaphore, #tpu.memory_space<semaphore_mem>>) src(%dma_wait3A_129 : memref<10000x128xbf16, #tpu.memory_space<vmem_shared>>) dst(%arg8 : memref<128x128xbf16, #tpu.memory_space<vmem>>)
      %dma_start3A_130 = arith.constant 0 : i32
      %dma_start3A_131 = tpu.memref_slice %arg6[%add3A_122, %dma_start3A_130] : memref<40x128xi32, #tpu.memory_space<vmem>> -> memref<1x128xi32, #tpu.memory_space<vmem>>
      %dma_start3A_132 = tpu.memref_squeeze %dma_start3A_131 : memref<1x128xi32, #tpu.memory_space<vmem>> -> memref<128xi32, #tpu.memory_space<vmem>>
      %dma_start3A_133 = arith.constant 0 : i32
      %dma_start3A_134 = arith.constant 0 : i32
      %dma_start3A_135 = tpu.memref_slice %arg11[%dma_start3A_133, %dma_start3A_134] : memref<10016x128xbf16, #tpu.memory_space<vmem_shared>> -> memref<10016x128xbf16, #tpu.memory_space<vmem_shared>>
      tpu.enqueue_indirect_dma source(%arg8 : memref<128x128xbf16, #tpu.memory_space<vmem>>) target(%dma_start3A_135 : memref<10016x128xbf16, #tpu.memory_space<vmem_shared>>) offsets(%dma_start3A_132 : memref<128xi32, #tpu.memory_space<vmem>>) semaphore(%arg18 : memref<!tpu.dma_semaphore, #tpu.memory_space<semaphore_mem>>) {add = true}
      %mul3A_136 = arith.constant 4 : i32
      %mul3A_137 = arith.muli %mul3A_136, %scan3A_100 : i32
      %add3A_138 = arith.constant 2 : i32
      %add3A_139 = arith.addi %mul3A_137, %add3A_138 : i32
      %dma_wait3A_140 = arith.constant 0 : i32
      %dma_wait3A_141 = arith.constant 0 : i32
      %dma_wait3A_142 = tpu.memref_slice %arg5[%dma_wait3A_140, %dma_wait3A_141] : memref<40x128xi32, #tpu.memory_space<vmem>> -> memref<1x128xi32, #tpu.memory_space<vmem>>
      %dma_wait3A_143 = tpu.memref_squeeze %dma_wait3A_142 : memref<1x128xi32, #tpu.memory_space<vmem>> -> memref<128xi32, #tpu.memory_space<vmem>>
      %dma_wait3A_144 = arith.constant 0 : i32
      %dma_wait3A_145 = arith.constant 0 : i32
      %dma_wait3A_146 = tpu.memref_slice %arg12[%dma_wait3A_144, %dma_wait3A_145] : memref<10000x128xbf16, #tpu.memory_space<vmem_shared>> -> memref<10000x128xbf16, #tpu.memory_space<vmem_shared>>
      tpu.wait_indirect_dma semaphore(%arg15 : memref<!tpu.dma_semaphore, #tpu.memory_space<semaphore_mem>>) src(%dma_wait3A_146 : memref<10000x128xbf16, #tpu.memory_space<vmem_shared>>) dst(%arg9 : memref<128x128xbf16, #tpu.memory_space<vmem>>)
      %dma_start3A_147 = arith.constant 0 : i32
      %dma_start3A_148 = tpu.memref_slice %arg6[%add3A_139, %dma_start3A_147] : memref<40x128xi32, #tpu.memory_space<vmem>> -> memref<1x128xi32, #tpu.memory_space<vmem>>
      %dma_start3A_149 = tpu.memref_squeeze %dma_start3A_148 : memref<1x128xi32, #tpu.memory_space<vmem>> -> memref<128xi32, #tpu.memory_space<vmem>>
      %dma_start3A_150 = arith.constant 0 : i32
      %dma_start3A_151 = arith.constant 0 : i32
      %dma_start3A_152 = tpu.memref_slice %arg11[%dma_start3A_150, %dma_start3A_151] : memref<10016x128xbf16, #tpu.memory_space<vmem_shared>> -> memref<10016x128xbf16, #tpu.memory_space<vmem_shared>>
      tpu.enqueue_indirect_dma source(%arg9 : memref<128x128xbf16, #tpu.memory_space<vmem>>) target(%dma_start3A_152 : memref<10016x128xbf16, #tpu.memory_space<vmem_shared>>) offsets(%dma_start3A_149 : memref<128xi32, #tpu.memory_space<vmem>>) semaphore(%arg19 : memref<!tpu.dma_semaphore, #tpu.memory_space<semaphore_mem>>) {add = true}
      %mul3A_153 = arith.constant 4 : i32
      %mul3A_154 = arith.muli %mul3A_153, %scan3A_100 : i32
      %add3A_155 = arith.constant 3 : i32
      %add3A_156 = arith.addi %mul3A_154, %add3A_155 : i32
      %dma_wait3A_157 = arith.constant 0 : i32
      %dma_wait3A_158 = arith.constant 0 : i32
      %dma_wait3A_159 = tpu.memref_slice %arg5[%dma_wait3A_157, %dma_wait3A_158] : memref<40x128xi32, #tpu.memory_space<vmem>> -> memref<1x128xi32, #tpu.memory_space<vmem>>
      %dma_wait3A_160 = tpu.memref_squeeze %dma_wait3A_159 : memref<1x128xi32, #tpu.memory_space<vmem>> -> memref<128xi32, #tpu.memory_space<vmem>>
      %dma_wait3A_161 = arith.constant 0 : i32
      %dma_wait3A_162 = arith.constant 0 : i32
      %dma_wait3A_163 = tpu.memref_slice %arg12[%dma_wait3A_161, %dma_wait3A_162] : memref<10000x128xbf16, #tpu.memory_space<vmem_shared>> -> memref<10000x128xbf16, #tpu.memory_space<vmem_shared>>
      tpu.wait_indirect_dma semaphore(%arg16 : memref<!tpu.dma_semaphore, #tpu.memory_space<semaphore_mem>>) src(%dma_wait3A_163 : memref<10000x128xbf16, #tpu.memory_space<vmem_shared>>) dst(%arg10 : memref<128x128xbf16, #tpu.memory_space<vmem>>)
      %dma_start3A_164 = arith.constant 0 : i32
      %dma_start3A_165 = tpu.memref_slice %arg6[%add3A_156, %dma_start3A_164] : memref<40x128xi32, #tpu.memory_space<vmem>> -> memref<1x128xi32, #tpu.memory_space<vmem>>
      %dma_start3A_166 = tpu.memref_squeeze %dma_start3A_165 : memref<1x128xi32, #tpu.memory_space<vmem>> -> memref<128xi32, #tpu.memory_space<vmem>>
      %dma_start3A_167 = arith.constant 0 : i32
      %dma_start3A_168 = arith.constant 0 : i32
      %dma_start3A_169 = tpu.memref_slice %arg11[%dma_start3A_167, %dma_start3A_168] : memref<10016x128xbf16, #tpu.memory_space<vmem_shared>> -> memref<10016x128xbf16, #tpu.memory_space<vmem_shared>>
      tpu.enqueue_indirect_dma source(%arg10 : memref<128x128xbf16, #tpu.memory_space<vmem>>) target(%dma_start3A_169 : memref<10016x128xbf16, #tpu.memory_space<vmem_shared>>) offsets(%dma_start3A_166 : memref<128xi32, #tpu.memory_space<vmem>>) semaphore(%arg20 : memref<!tpu.dma_semaphore, #tpu.memory_space<semaphore_mem>>) {add = true}
      %dma_wait3A_170 = arith.constant 0 : i32
      %dma_wait3A_171 = arith.constant 0 : i32
      %dma_wait3A_172 = tpu.memref_slice %arg6[%dma_wait3A_170, %dma_wait3A_171] : memref<40x128xi32, #tpu.memory_space<vmem>> -> memref<1x128xi32, #tpu.memory_space<vmem>>
      %dma_wait3A_173 = tpu.memref_squeeze %dma_wait3A_172 : memref<1x128xi32, #tpu.memory_space<vmem>> -> memref<128xi32, #tpu.memory_space<vmem>>
      %dma_wait3A_174 = arith.constant 0 : i32
      %dma_wait3A_175 = arith.constant 0 : i32
      %dma_wait3A_176 = tpu.memref_slice %arg11[%dma_wait3A_174, %dma_wait3A_175] : memref<10016x128xbf16, #tpu.memory_space<vmem_shared>> -> memref<10016x128xbf16, #tpu.memory_space<vmem_shared>>
      tpu.wait_indirect_dma semaphore(%arg17 : memref<!tpu.dma_semaphore, #tpu.memory_space<semaphore_mem>>) src(%arg7 : memref<128x128xbf16, #tpu.memory_space<vmem>>) dst(%dma_wait3A_176 : memref<10016x128xbf16, #tpu.memory_space<vmem_shared>>)
      %mul3A_177 = arith.constant 4 : i32
      %mul3A_178 = arith.muli %mul3A_177, %scan3A_100 : i32
      %add3A_179 = arith.constant 0 : i32
      %add3A_180 = arith.addi %mul3A_178, %add3A_179 : i32
      %add3A_181 = arith.constant 4 : i32
      %add3A_182 = arith.addi %add3A_180, %add3A_181 : i32
      %rem3A = arith.constant 40 : i32
      %rem3A_183 = arith.remsi %add3A_182, %rem3A : i32
      %dma_start3A_184 = arith.constant 0 : i32
      %dma_start3A_185 = tpu.memref_slice %arg5[%rem3A_183, %dma_start3A_184] : memref<40x128xi32, #tpu.memory_space<vmem>> -> memref<1x128xi32, #tpu.memory_space<vmem>>
      %dma_start3A_186 = tpu.memref_squeeze %dma_start3A_185 : memref<1x128xi32, #tpu.memory_space<vmem>> -> memref<128xi32, #tpu.memory_space<vmem>>
      %dma_start3A_187 = arith.constant 0 : i32
      %dma_start3A_188 = arith.constant 0 : i32
      %dma_start3A_189 = tpu.memref_slice %arg12[%dma_start3A_187, %dma_start3A_188] : memref<10000x128xbf16, #tpu.memory_space<vmem_shared>> -> memref<10000x128xbf16, #tpu.memory_space<vmem_shared>>
      tpu.enqueue_indirect_dma source(%dma_start3A_189 : memref<10000x128xbf16, #tpu.memory_space<vmem_shared>>) target(%arg7 : memref<128x128xbf16, #tpu.memory_space<vmem>>) offsets(%dma_start3A_186 : memref<128xi32, #tpu.memory_space<vmem>>) semaphore(%arg13 : memref<!tpu.dma_semaphore, #tpu.memory_space<semaphore_mem>>)
      %dma_wait3A_190 = arith.constant 0 : i32
      %dma_wait3A_191 = arith.constant 0 : i32
      %dma_wait3A_192 = tpu.memref_slice %arg6[%dma_wait3A_190, %dma_wait3A_191] : memref<40x128xi32, #tpu.memory_space<vmem>> -> memref<1x128xi32, #tpu.memory_space<vmem>>
      %dma_wait3A_193 = tpu.memref_squeeze %dma_wait3A_192 : memref<1x128xi32, #tpu.memory_space<vmem>> -> memref<128xi32, #tpu.memory_space<vmem>>
      %dma_wait3A_194 = arith.constant 0 : i32
      %dma_wait3A_195 = arith.constant 0 : i32
      %dma_wait3A_196 = tpu.memref_slice %arg11[%dma_wait3A_194, %dma_wait3A_195] : memref<10016x128xbf16, #tpu.memory_space<vmem_shared>> -> memref<10016x128xbf16, #tpu.memory_space<vmem_shared>>
      tpu.wait_indirect_dma semaphore(%arg18 : memref<!tpu.dma_semaphore, #tpu.memory_space<semaphore_mem>>) src(%arg8 : memref<128x128xbf16, #tpu.memory_space<vmem>>) dst(%dma_wait3A_196 : memref<10016x128xbf16, #tpu.memory_space<vmem_shared>>)
      %mul3A_197 = arith.constant 4 : i32
      %mul3A_198 = arith.muli %mul3A_197, %scan3A_100 : i32
      %add3A_199 = arith.constant 1 : i32
      %add3A_200 = arith.addi %mul3A_198, %add3A_199 : i32
      %add3A_201 = arith.constant 4 : i32
      %add3A_202 = arith.addi %add3A_200, %add3A_201 : i32
      %rem3A_203 = arith.constant 40 : i32
      %rem3A_204 = arith.remsi %add3A_202, %rem3A_203 : i32
      %dma_start3A_205 = arith.constant 0 : i32
      %dma_start3A_206 = tpu.memref_slice %arg5[%rem3A_204, %dma_start3A_205] : memref<40x128xi32, #tpu.memory_space<vmem>> -> memref<1x128xi32, #tpu.memory_space<vmem>>
      %dma_start3A_207 = tpu.memref_squeeze %dma_start3A_206 : memref<1x128xi32, #tpu.memory_space<vmem>> -> memref<128xi32, #tpu.memory_space<vmem>>
      %dma_start3A_208 = arith.constant 0 : i32
      %dma_start3A_209 = arith.constant 0 : i32
      %dma_start3A_210 = tpu.memref_slice %arg12[%dma_start3A_208, %dma_start3A_209] : memref<10000x128xbf16, #tpu.memory_space<vmem_shared>> -> memref<10000x128xbf16, #tpu.memory_space<vmem_shared>>
      tpu.enqueue_indirect_dma source(%dma_start3A_210 : memref<10000x128xbf16, #tpu.memory_space<vmem_shared>>) target(%arg8 : memref<128x128xbf16, #tpu.memory_space<vmem>>) offsets(%dma_start3A_207 : memref<128xi32, #tpu.memory_space<vmem>>) semaphore(%arg14 : memref<!tpu.dma_semaphore, #tpu.memory_space<semaphore_mem>>)
      %dma_wait3A_211 = arith.constant 0 : i32
      %dma_wait3A_212 = arith.constant 0 : i32
      %dma_wait3A_213 = tpu.memref_slice %arg6[%dma_wait3A_211, %dma_wait3A_212] : memref<40x128xi32, #tpu.memory_space<vmem>> -> memref<1x128xi32, #tpu.memory_space<vmem>>
      %dma_wait3A_214 = tpu.memref_squeeze %dma_wait3A_213 : memref<1x128xi32, #tpu.memory_space<vmem>> -> memref<128xi32, #tpu.memory_space<vmem>>
      %dma_wait3A_215 = arith.constant 0 : i32
      %dma_wait3A_216 = arith.constant 0 : i32
      %dma_wait3A_217 = tpu.memref_slice %arg11[%dma_wait3A_215, %dma_wait3A_216] : memref<10016x128xbf16, #tpu.memory_space<vmem_shared>> -> memref<10016x128xbf16, #tpu.memory_space<vmem_shared>>
      tpu.wait_indirect_dma semaphore(%arg19 : memref<!tpu.dma_semaphore, #tpu.memory_space<semaphore_mem>>) src(%arg9 : memref<128x128xbf16, #tpu.memory_space<vmem>>) dst(%dma_wait3A_217 : memref<10016x128xbf16, #tpu.memory_space<vmem_shared>>)
      %mul3A_218 = arith.constant 4 : i32
      %mul3A_219 = arith.muli %mul3A_218, %scan3A_100 : i32
      %add3A_220 = arith.constant 2 : i32
      %add3A_221 = arith.addi %mul3A_219, %add3A_220 : i32
      %add3A_222 = arith.constant 4 : i32
      %add3A_223 = arith.addi %add3A_221, %add3A_222 : i32
      %rem3A_224 = arith.constant 40 : i32
      %rem3A_225 = arith.remsi %add3A_223, %rem3A_224 : i32
      %dma_start3A_226 = arith.constant 0 : i32
      %dma_start3A_227 = tpu.memref_slice %arg5[%rem3A_225, %dma_start3A_226] : memref<40x128xi32, #tpu.memory_space<vmem>> -> memref<1x128xi32, #tpu.memory_space<vmem>>
      %dma_start3A_228 = tpu.memref_squeeze %dma_start3A_227 : memref<1x128xi32, #tpu.memory_space<vmem>> -> memref<128xi32, #tpu.memory_space<vmem>>
      %dma_start3A_229 = arith.constant 0 : i32
      %dma_start3A_230 = arith.constant 0 : i32
      %dma_start3A_231 = tpu.memref_slice %arg12[%dma_start3A_229, %dma_start3A_230] : memref<10000x128xbf16, #tpu.memory_space<vmem_shared>> -> memref<10000x128xbf16, #tpu.memory_space<vmem_shared>>
      tpu.enqueue_indirect_dma source(%dma_start3A_231 : memref<10000x128xbf16, #tpu.memory_space<vmem_shared>>) target(%arg9 : memref<128x128xbf16, #tpu.memory_space<vmem>>) offsets(%dma_start3A_228 : memref<128xi32, #tpu.memory_space<vmem>>) semaphore(%arg15 : memref<!tpu.dma_semaphore, #tpu.memory_space<semaphore_mem>>)
      %dma_wait3A_232 = arith.constant 0 : i32
      %dma_wait3A_233 = arith.constant 0 : i32
      %dma_wait3A_234 = tpu.memref_slice %arg6[%dma_wait3A_232, %dma_wait3A_233] : memref<40x128xi32, #tpu.memory_space<vmem>> -> memref<1x128xi32, #tpu.memory_space<vmem>>
      %dma_wait3A_235 = tpu.memref_squeeze %dma_wait3A_234 : memref<1x128xi32, #tpu.memory_space<vmem>> -> memref<128xi32, #tpu.memory_space<vmem>>
      %dma_wait3A_236 = arith.constant 0 : i32
      %dma_wait3A_237 = arith.constant 0 : i32
      %dma_wait3A_238 = tpu.memref_slice %arg11[%dma_wait3A_236, %dma_wait3A_237] : memref<10016x128xbf16, #tpu.memory_space<vmem_shared>> -> memref<10016x128xbf16, #tpu.memory_space<vmem_shared>>
      tpu.wait_indirect_dma semaphore(%arg20 : memref<!tpu.dma_semaphore, #tpu.memory_space<semaphore_mem>>) src(%arg10 : memref<128x128xbf16, #tpu.memory_space<vmem>>) dst(%dma_wait3A_238 : memref<10016x128xbf16, #tpu.memory_space<vmem_shared>>)
      %mul3A_239 = arith.constant 4 : i32
      %mul3A_240 = arith.muli %mul3A_239, %scan3A_100 : i32
      %add3A_241 = arith.constant 3 : i32
      %add3A_242 = arith.addi %mul3A_240, %add3A_241 : i32
      %add3A_243 = arith.constant 4 : i32
      %add3A_244 = arith.addi %add3A_242, %add3A_243 : i32
      %rem3A_245 = arith.constant 40 : i32
      %rem3A_246 = arith.remsi %add3A_244, %rem3A_245 : i32
      %dma_start3A_247 = arith.constant 0 : i32
      %dma_start3A_248 = tpu.memref_slice %arg5[%rem3A_246, %dma_start3A_247] : memref<40x128xi32, #tpu.memory_space<vmem>> -> memref<1x128xi32, #tpu.memory_space<vmem>>
      %dma_start3A_249 = tpu.memref_squeeze %dma_start3A_248 : memref<1x128xi32, #tpu.memory_space<vmem>> -> memref<128xi32, #tpu.memory_space<vmem>>
      %dma_start3A_250 = arith.constant 0 : i32
      %dma_start3A_251 = arith.constant 0 : i32
      %dma_start3A_252 = tpu.memref_slice %arg12[%dma_start3A_250, %dma_start3A_251] : memref<10000x128xbf16, #tpu.memory_space<vmem_shared>> -> memref<10000x128xbf16, #tpu.memory_space<vmem_shared>>
      tpu.enqueue_indirect_dma source(%dma_start3A_252 : memref<10000x128xbf16, #tpu.memory_space<vmem_shared>>) target(%arg10 : memref<128x128xbf16, #tpu.memory_space<vmem>>) offsets(%dma_start3A_249 : memref<128xi32, #tpu.memory_space<vmem>>) semaphore(%arg16 : memref<!tpu.dma_semaphore, #tpu.memory_space<semaphore_mem>>)
      %scan3A_253 = arith.constant 0 : i32
      scf.yield %scan3A_253 : i32
    }
    %scan3A_67 = arith.constant 10 : i32
    %dma_wait3A = arith.constant 0 : i32
    %dma_wait3A_68 = arith.constant 0 : i32
    %dma_wait3A_69 = tpu.memref_slice %arg5[%dma_wait3A, %dma_wait3A_68] : memref<40x128xi32, #tpu.memory_space<vmem>> -> memref<1x128xi32, #tpu.memory_space<vmem>>
    %dma_wait3A_70 = tpu.memref_squeeze %dma_wait3A_69 : memref<1x128xi32, #tpu.memory_space<vmem>> -> memref<128xi32, #tpu.memory_space<vmem>>
    %dma_wait3A_71 = arith.constant 0 : i32
    %dma_wait3A_72 = arith.constant 0 : i32
    %dma_wait3A_73 = tpu.memref_slice %arg12[%dma_wait3A_71, %dma_wait3A_72] : memref<10000x128xbf16, #tpu.memory_space<vmem_shared>> -> memref<10000x128xbf16, #tpu.memory_space<vmem_shared>>
    tpu.wait_indirect_dma semaphore(%arg13 : memref<!tpu.dma_semaphore, #tpu.memory_space<semaphore_mem>>) src(%dma_wait3A_73 : memref<10000x128xbf16, #tpu.memory_space<vmem_shared>>) dst(%arg7 : memref<128x128xbf16, #tpu.memory_space<vmem>>)
    %dma_wait3A_74 = arith.constant 0 : i32
    %dma_wait3A_75 = arith.constant 0 : i32
    %dma_wait3A_76 = tpu.memref_slice %arg5[%dma_wait3A_74, %dma_wait3A_75] : memref<40x128xi32, #tpu.memory_space<vmem>> -> memref<1x128xi32, #tpu.memory_space<vmem>>
    %dma_wait3A_77 = tpu.memref_squeeze %dma_wait3A_76 : memref<1x128xi32, #tpu.memory_space<vmem>> -> memref<128xi32, #tpu.memory_space<vmem>>
    %dma_wait3A_78 = arith.constant 0 : i32
    %dma_wait3A_79 = arith.constant 0 : i32
    %dma_wait3A_80 = tpu.memref_slice %arg12[%dma_wait3A_78, %dma_wait3A_79] : memref<10000x128xbf16, #tpu.memory_space<vmem_shared>> -> memref<10000x128xbf16, #tpu.memory_space<vmem_shared>>
    tpu.wait_indirect_dma semaphore(%arg14 : memref<!tpu.dma_semaphore, #tpu.memory_space<semaphore_mem>>) src(%dma_wait3A_80 : memref<10000x128xbf16, #tpu.memory_space<vmem_shared>>) dst(%arg8 : memref<128x128xbf16, #tpu.memory_space<vmem>>)
    %dma_wait3A_81 = arith.constant 0 : i32
    %dma_wait3A_82 = arith.constant 0 : i32
    %dma_wait3A_83 = tpu.memref_slice %arg5[%dma_wait3A_81, %dma_wait3A_82] : memref<40x128xi32, #tpu.memory_space<vmem>> -> memref<1x128xi32, #tpu.memory_space<vmem>>
    %dma_wait3A_84 = tpu.memref_squeeze %dma_wait3A_83 : memref<1x128xi32, #tpu.memory_space<vmem>> -> memref<128xi32, #tpu.memory_space<vmem>>
    %dma_wait3A_85 = arith.constant 0 : i32
    %dma_wait3A_86 = arith.constant 0 : i32
    %dma_wait3A_87 = tpu.memref_slice %arg12[%dma_wait3A_85, %dma_wait3A_86] : memref<10000x128xbf16, #tpu.memory_space<vmem_shared>> -> memref<10000x128xbf16, #tpu.memory_space<vmem_shared>>
    tpu.wait_indirect_dma semaphore(%arg15 : memref<!tpu.dma_semaphore, #tpu.memory_space<semaphore_mem>>) src(%dma_wait3A_87 : memref<10000x128xbf16, #tpu.memory_space<vmem_shared>>) dst(%arg9 : memref<128x128xbf16, #tpu.memory_space<vmem>>)
    %dma_wait3A_88 = arith.constant 0 : i32
    %dma_wait3A_89 = arith.constant 0 : i32
    %dma_wait3A_90 = tpu.memref_slice %arg5[%dma_wait3A_88, %dma_wait3A_89] : memref<40x128xi32, #tpu.memory_space<vmem>> -> memref<1x128xi32, #tpu.memory_space<vmem>>
    %dma_wait3A_91 = tpu.memref_squeeze %dma_wait3A_90 : memref<1x128xi32, #tpu.memory_space<vmem>> -> memref<128xi32, #tpu.memory_space<vmem>>
    %dma_wait3A_92 = arith.constant 0 : i32
    %dma_wait3A_93 = arith.constant 0 : i32
    %dma_wait3A_94 = tpu.memref_slice %arg12[%dma_wait3A_92, %dma_wait3A_93] : memref<10000x128xbf16, #tpu.memory_space<vmem_shared>> -> memref<10000x128xbf16, #tpu.memory_space<vmem_shared>>
    tpu.wait_indirect_dma semaphore(%arg16 : memref<!tpu.dma_semaphore, #tpu.memory_space<semaphore_mem>>) src(%dma_wait3A_94 : memref<10000x128xbf16, #tpu.memory_space<vmem_shared>>) dst(%arg10 : memref<128x128xbf16, #tpu.memory_space<vmem>>)
    %barrier3A_95 = arith.constant 0 : index
    tpu.barrier barrier_id(%barrier3A_95)
    %mul3A_96 = arith.constant 625 : i32
    %mul3A_97 = arith.muli %arg1, %mul3A_96 : i32
    %mul3A_98 = arith.constant 625 : i32
    %mul3A_99 = arith.muli %arg1, %mul3A_98 : i32
    "tpu.region"() ({
      %run_scoped3A_100 = tpu.sem_alloc : memref<!tpu.dma_semaphore, #tpu.memory_space<semaphore_mem>>
      %dma_start3A_101 = arith.constant 0 : i32
      %dma_start3A_102 = tpu.memref_slice %arg4[%arg0, %mul3A_99, %dma_start3A_101] : memref<2x10000x128xbf16, #tpu.memory_space<hbm>> -> memref<1x625x128xbf16, #tpu.memory_space<hbm>>
      %dma_start3A_103 = tpu.memref_squeeze %dma_start3A_102 : memref<1x625x128xbf16, #tpu.memory_space<hbm>> -> memref<625x128xbf16, #tpu.memory_space<hbm>>
      %dma_start3A_104 = arith.constant 0 : i32
      %dma_start3A_105 = tpu.memref_slice %arg11[%mul3A_97, %dma_start3A_104] : memref<10016x128xbf16, #tpu.memory_space<vmem_shared>> -> memref<625x128xbf16, #tpu.memory_space<vmem_shared>>
      tpu.enqueue_dma source(%dma_start3A_105 : memref<625x128xbf16, #tpu.memory_space<vmem_shared>>) target(%dma_start3A_103 : memref<625x128xbf16, #tpu.memory_space<hbm>>) target_semaphore(%run_scoped3A_100 : memref<!tpu.dma_semaphore, #tpu.memory_space<semaphore_mem>>)
      %dma_wait3A_106 = arith.constant 0 : i32
      %dma_wait3A_107 = tpu.memref_slice %arg4[%arg0, %mul3A_99, %dma_wait3A_106] : memref<2x10000x128xbf16, #tpu.memory_space<hbm>> -> memref<1x625x128xbf16, #tpu.memory_space<hbm>>
      %dma_wait3A_108 = tpu.memref_squeeze %dma_wait3A_107 : memref<1x625x128xbf16, #tpu.memory_space<hbm>> -> memref<625x128xbf16, #tpu.memory_space<hbm>>
      %dma_wait3A_109 = arith.constant 0 : i32
      %dma_wait3A_110 = tpu.memref_slice %arg11[%mul3A_97, %dma_wait3A_109] : memref<10016x128xbf16, #tpu.memory_space<vmem_shared>> -> memref<625x128xbf16, #tpu.memory_space<vmem_shared>>
      tpu.wait_dma2 semaphore(%run_scoped3A_100 : memref<!tpu.dma_semaphore, #tpu.memory_space<semaphore_mem>>) src(%dma_wait3A_110 : memref<625x128xbf16, #tpu.memory_space<vmem_shared>>) dst(%dma_wait3A_108 : memref<625x128xbf16, #tpu.memory_space<hbm>>)
      tpu.yield
    }) : () -> ()
    return
  }
}

module attributes {stable_mosaic.version = 14 : i64} {
  func.func @_mm_body(%arg0: i32, %arg1: memref<2000x128xf32, #tpu.memory_space<vmem>>, %arg2: memref<128x128xf32, #tpu.memory_space<vmem>>, %arg3: memref<2000x128xf32, #tpu.memory_space<vmem>>) attributes {dimension_semantics = [#tpu.dimension_semantics<arbitrary>], iteration_bounds = array<i64: 5>, scalar_prefetch = 0 : i64, scratch_operands = 0 : i64, tpu.core_type = #tpu.core_type<tc>, window_params = [{transform_indices = @transform_0, window_bounds = array<i64: 2000, 128>}, {pipeline_mode = #tpu.pipeline_mode<synchronous>, transform_indices = @transform_1, window_bounds = array<i64: 128, 128>}, {transform_indices = @transform_2, window_bounds = array<i64: 2000, 128>}]} {
    %get3A = arith.constant 0 : index
    %get3A_0 = arith.constant 0 : index
    %get3A_1 = vector.load %arg1[%get3A, %get3A_0] : memref<2000x128xf32, #tpu.memory_space<vmem>>, vector<2000x128xf32>
    %get3A_2 = arith.constant 0 : index
    %get3A_3 = arith.constant 0 : index
    %get3A_4 = vector.load %arg2[%get3A_2, %get3A_3] : memref<128x128xf32, #tpu.memory_space<vmem>>, vector<128x128xf32>
    %dot_general3A = arith.constant dense<0.000000e+00> : vector<2000x128xf32>
    %dot_general3A_5 = tpu.matmul %get3A_1, %get3A_4, %dot_general3A {dimension_numbers = #tpu.dot_dimension_numbers<[1], [0], [0], [1], [0, 0, 1, 1], [], []>, transpose_lhs_hint = false} : vector<2000x128xf32>, vector<128x128xf32>, vector<2000x128xf32> -> vector<2000x128xf32>
    %swap3A = arith.constant 0 : index
    %swap3A_6 = arith.constant 0 : index
    %swap3A_7 = vector.load %arg3[%swap3A, %swap3A_6] : memref<2000x128xf32, #tpu.memory_space<vmem>>, vector<2000x128xf32>
    tpu.vector_store %arg3[%swap3A, %swap3A_6], %dot_general3A_5 {strides = array<i32>} : memref<2000x128xf32, #tpu.memory_space<vmem>>, vector<2000x128xf32>,
    return
  }
  func.func @transform_0(%arg0: i32) -> (i32, i32) {
    %c0_i32 = arith.constant 0 : i32
    %c0_i32_0 = arith.constant 0 : i32
    return %arg0, %c0_i32 : i32, i32
  }
  func.func @transform_1(%arg0: i32) -> (i32, i32) {
    %c0_i32 = arith.constant 0 : i32
    %c0_i32_0 = arith.constant 0 : i32
    %c0_i32_1 = arith.constant 0 : i32
    return %c0_i32, %c0_i32_0 : i32, i32
  }
  func.func @transform_2(%arg0: i32) -> (i32, i32) {
    %c0_i32 = arith.constant 0 : i32
    %c0_i32_0 = arith.constant 0 : i32
    return %arg0, %c0_i32 : i32, i32
  }
}

module attributes {stable_mosaic.version = 14 : i64} {
  func.func @_scale_body(%arg0: i32, %arg1: memref<2x2000x16xf32, #tpu.memory_space<vmem>>, %arg2: memref<2000x128xf32, #tpu.memory_space<vmem>>, %arg3: memref<2000x128xbf16, #tpu.memory_space<vmem>>, %arg4: memref<2000x1xf32, #tpu.memory_space<vmem>>) attributes {dimension_semantics = [#tpu.dimension_semantics<arbitrary>], iteration_bounds = array<i64: 5>, scalar_prefetch = 0 : i64, scratch_operands = 0 : i64, tpu.core_type = #tpu.core_type<tc>, window_params = [{transform_indices = @transform_0, window_bounds = array<i64: 2, 2000, 16>}, {transform_indices = @transform_1, window_bounds = array<i64: 2000, 128>}, {transform_indices = @transform_2, window_bounds = array<i64: 2000, 128>}, {transform_indices = @transform_3, window_bounds = array<i64: 2000, 1>}]} {
    %get3A = arith.constant 0 : index
    %get3A_0 = arith.constant 0 : index
    %get3A_1 = arith.constant 0 : index
    %get3A_2 = vector.load %arg1[%get3A, %get3A_0, %get3A_1] : memref<2x2000x16xf32, #tpu.memory_space<vmem>>, vector<2x2000x16xf32>
    %reduce_sum3A = arith.constant dense<0.000000e+00> : vector<2000xf32>
    %reduce_sum3A_3 = vector.multi_reduction <add>, %get3A_2, %reduce_sum3A [0, 2] : vector<2x2000x16xf32> to vector<2000xf32>
    %mul3A = arith.constant 6.250000e-02 : f32
    %mul3A_4 = vector.broadcast %mul3A : f32 to vector<2000xf32>
    %mul3A_5 = arith.mulf %reduce_sum3A_3, %mul3A_4 : vector<2000xf32>
    %add3A = arith.constant 1.000000e+00 : f32
    %add3A_6 = vector.broadcast %add3A : f32 to vector<2000xf32>
    %add3A_7 = arith.addf %mul3A_5, %add3A_6 : vector<2000xf32>
    %rsqrt3A = math.rsqrt %add3A_7 : vector<2000xf32>
    %broadcast_in_dim3A = vector.shape_cast %rsqrt3A : vector<2000xf32> to vector<2000x1xf32>
    %swap3A = arith.constant 0 : index
    %swap3A_8 = arith.constant 0 : index
    %swap3A_9 = vector.load %arg4[%swap3A, %swap3A_8] : memref<2000x1xf32, #tpu.memory_space<vmem>>, vector<2000x1xf32>
    tpu.vector_store %arg4[%swap3A, %swap3A_8], %broadcast_in_dim3A {strides = array<i32>} : memref<2000x1xf32, #tpu.memory_space<vmem>>, vector<2000x1xf32>,
    %get3A_10 = arith.constant 0 : index
    %get3A_11 = arith.constant 0 : index
    %get3A_12 = vector.load %arg2[%get3A_10, %get3A_11] : memref<2000x128xf32, #tpu.memory_space<vmem>>, vector<2000x128xf32>
    %broadcast_in_dim3A_13 = vector.shape_cast %rsqrt3A : vector<2000xf32> to vector<2000x1xf32>
    %mul3A_14 = vector.broadcast %broadcast_in_dim3A_13 : vector<2000x1xf32> to vector<2000x128xf32>
    %mul3A_15 = arith.mulf %get3A_12, %mul3A_14 : vector<2000x128xf32>
    %convert_element_type3A = arith.truncf %mul3A_15 : vector<2000x128xf32> to vector<2000x128xbf16>
    %swap3A_16 = arith.constant 0 : index
    %swap3A_17 = arith.constant 0 : index
    %swap3A_18 = vector.load %arg3[%swap3A_16, %swap3A_17] : memref<2000x128xbf16, #tpu.memory_space<vmem>>, vector<2000x128xbf16>
    tpu.vector_store %arg3[%swap3A_16, %swap3A_17], %convert_element_type3A {strides = array<i32>} : memref<2000x128xbf16, #tpu.memory_space<vmem>>, vector<2000x128xbf16>,
    return
  }
  func.func @transform_0(%arg0: i32) -> (i32, i32, i32) {
    %c0_i32 = arith.constant 0 : i32
    %c0_i32_0 = arith.constant 0 : i32
    %c0_i32_1 = arith.constant 0 : i32
    return %c0_i32, %arg0, %c0_i32_0 : i32, i32, i32
  }
  func.func @transform_1(%arg0: i32) -> (i32, i32) {
    %c0_i32 = arith.constant 0 : i32
    %c0_i32_0 = arith.constant 0 : i32
    return %arg0, %c0_i32 : i32, i32
  }
  func.func @transform_2(%arg0: i32) -> (i32, i32) {
    %c0_i32 = arith.constant 0 : i32
    %c0_i32_0 = arith.constant 0 : i32
    return %arg0, %c0_i32 : i32, i32
  }
  func.func @transform_3(%arg0: i32) -> (i32, i32) {
    %c0_i32 = arith.constant 0 : i32
    %c0_i32_0 = arith.constant 0 : i32
    return %arg0, %c0_i32 : i32, i32
  }
}

module attributes {stable_mosaic.version = 14 : i64} {
  func.func @_mlp_body(%arg0: i32, %arg1: memref<2x2000x128xbf16, #tpu.memory_space<vmem>>, %arg2: memref<2000x128xbf16, #tpu.memory_space<vmem>>, %arg3: memref<2000x1xf32, #tpu.memory_space<vmem>>, %arg4: memref<2000x128xf32, #tpu.memory_space<vmem>>, %arg5: memref<1x128xf32, #tpu.memory_space<vmem>>, %arg6: memref<128x256xf32, #tpu.memory_space<vmem>>, %arg7: memref<1x256xf32, #tpu.memory_space<vmem>>, %arg8: memref<256x256xf32, #tpu.memory_space<vmem>>, %arg9: memref<1x256xf32, #tpu.memory_space<vmem>>, %arg10: memref<256x1xf32, #tpu.memory_space<vmem>>, %arg11: memref<1x1xf32, #tpu.memory_space<vmem>>, %arg12: memref<2000x1xf32, #tpu.memory_space<vmem>>, %arg13: memref<1x1xf32, #tpu.memory_space<smem>>, %arg14: memref<1xf32, #tpu.memory_space<smem>>) attributes {dimension_semantics = [#tpu.dimension_semantics<arbitrary>], iteration_bounds = array<i64: 5>, scalar_prefetch = 0 : i64, scratch_operands = 1 : i64, tpu.core_type = #tpu.core_type<tc>, window_params = [{transform_indices = @transform_0, window_bounds = array<i64: 2, 2000, 128>}, {transform_indices = @transform_1, window_bounds = array<i64: 2000, 128>}, {transform_indices = @transform_2, window_bounds = array<i64: 2000, 1>}, {transform_indices = @transform_3, window_bounds = array<i64: 2000, 128>}, {pipeline_mode = #tpu.pipeline_mode<synchronous>, transform_indices = @transform_4, window_bounds = array<i64: 1, 128>}, {pipeline_mode = #tpu.pipeline_mode<synchronous>, transform_indices = @transform_5, window_bounds = array<i64: 128, 256>}, {pipeline_mode = #tpu.pipeline_mode<synchronous>, transform_indices = @transform_6, window_bounds = array<i64: 1, 256>}, {pipeline_mode = #tpu.pipeline_mode<synchronous>, transform_indices = @transform_7, window_bounds = array<i64: 256, 256>}, {pipeline_mode = #tpu.pipeline_mode<synchronous>, transform_indices = @transform_8, window_bounds = array<i64: 1, 256>}, {pipeline_mode = #tpu.pipeline_mode<synchronous>, transform_indices = @transform_9, window_bounds = array<i64: 256, 1>}, {pipeline_mode = #tpu.pipeline_mode<synchronous>, transform_indices = @transform_10, window_bounds = array<i64: 1, 1>}, {transform_indices = @transform_11, window_bounds = array<i64: 2000, 1>}, {transform_indices = @transform_12, window_bounds = array<i64: 1, 1>}]} {
    %get3A = arith.constant 0 : index
    %get3A_0 = arith.constant 0 : index
    %get3A_1 = arith.constant 0 : index
    %get3A_2 = vector.load %arg1[%get3A, %get3A_0, %get3A_1] : memref<2x2000x128xbf16, #tpu.memory_space<vmem>>, vector<1x2000x128xbf16>
    %get3A_3 = vector.shape_cast %get3A_2 : vector<1x2000x128xbf16> to vector<2000x128xbf16>
    %convert_element_type3A = arith.extf %get3A_3 : vector<2000x128xbf16> to vector<2000x128xf32>
    %get3A_4 = arith.constant 1 : index
    %get3A_5 = arith.constant 0 : index
    %get3A_6 = arith.constant 0 : index
    %get3A_7 = vector.load %arg1[%get3A_4, %get3A_5, %get3A_6] : memref<2x2000x128xbf16, #tpu.memory_space<vmem>>, vector<1x2000x128xbf16>
    %get3A_8 = vector.shape_cast %get3A_7 : vector<1x2000x128xbf16> to vector<2000x128xbf16>
    %convert_element_type3A_9 = arith.extf %get3A_8 : vector<2000x128xbf16> to vector<2000x128xf32>
    %add3A = arith.addf %convert_element_type3A, %convert_element_type3A_9 : vector<2000x128xf32>
    %get3A_10 = arith.constant 0 : index
    %get3A_11 = arith.constant 0 : index
    %get3A_12 = vector.load %arg2[%get3A_10, %get3A_11] : memref<2000x128xbf16, #tpu.memory_space<vmem>>, vector<2000x128xbf16>
    %convert_element_type3A_13 = arith.extf %get3A_12 : vector<2000x128xbf16> to vector<2000x128xf32>
    %add3A_14 = arith.addf %add3A, %convert_element_type3A_13 : vector<2000x128xf32>
    %get3A_15 = arith.constant 0 : index
    %get3A_16 = arith.constant 0 : index
    %get3A_17 = vector.load %arg3[%get3A_15, %get3A_16] : memref<2000x1xf32, #tpu.memory_space<vmem>>, vector<2000x1xf32>
    %mul3A = vector.broadcast %get3A_17 : vector<2000x1xf32> to vector<2000x128xf32>
    %mul3A_18 = arith.mulf %add3A_14, %mul3A : vector<2000x128xf32>
    %get3A_19 = arith.constant 0 : index
    %get3A_20 = arith.constant 0 : index
    %get3A_21 = vector.load %arg5[%get3A_19, %get3A_20] : memref<1x128xf32, #tpu.memory_space<vmem>>, vector<1x128xf32>
    %add3A_22 = vector.broadcast %get3A_21 : vector<1x128xf32> to vector<2000x128xf32>
    %add3A_23 = arith.addf %mul3A_18, %add3A_22 : vector<2000x128xf32>
    %max3A = arith.constant 0.000000e+00 : f32
    %max3A_24 = vector.broadcast %max3A : f32 to vector<2000x128xf32>
    %max3A_25 = arith.maximumf %add3A_23, %max3A_24 : vector<2000x128xf32>
    %get3A_26 = arith.constant 0 : index
    %get3A_27 = arith.constant 0 : index
    %get3A_28 = vector.load %arg4[%get3A_26, %get3A_27] : memref<2000x128xf32, #tpu.memory_space<vmem>>, vector<2000x128xf32>
    %add3A_29 = arith.addf %max3A_25, %get3A_28 : vector<2000x128xf32>
    %get3A_30 = arith.constant 0 : index
    %get3A_31 = arith.constant 0 : index
    %get3A_32 = vector.load %arg6[%get3A_30, %get3A_31] : memref<128x256xf32, #tpu.memory_space<vmem>>, vector<128x256xf32>
    %dot_general3A = arith.constant dense<0.000000e+00> : vector<2000x256xf32>
    %dot_general3A_33 = tpu.matmul %add3A_29, %get3A_32, %dot_general3A {dimension_numbers = #tpu.dot_dimension_numbers<[1], [0], [0], [1], [0, 0, 1, 1], [], []>, transpose_lhs_hint = false} : vector<2000x128xf32>, vector<128x256xf32>, vector<2000x256xf32> -> vector<2000x256xf32>
    %get3A_34 = arith.constant 0 : index
    %get3A_35 = arith.constant 0 : index
    %get3A_36 = vector.load %arg7[%get3A_34, %get3A_35] : memref<1x256xf32, #tpu.memory_space<vmem>>, vector<1x256xf32>
    %add3A_37 = vector.broadcast %get3A_36 : vector<1x256xf32> to vector<2000x256xf32>
    %add3A_38 = arith.addf %dot_general3A_33, %add3A_37 : vector<2000x256xf32>
    %ge3A = arith.constant 0.000000e+00 : f32
    %ge3A_39 = vector.broadcast %ge3A : f32 to vector<2000x256xf32>
    %ge3A_40 = arith.cmpf oge, %add3A_38, %ge3A_39 : vector<2000x256xf32>
    %mul3A_41 = arith.constant 0.00999999977 : f32
    %mul3A_42 = vector.broadcast %mul3A_41 : f32 to vector<2000x256xf32>
    %mul3A_43 = arith.mulf %mul3A_42, %add3A_38 : vector<2000x256xf32>
    %select_n3A = arith.select %ge3A_40, %add3A_38, %mul3A_43 : vector<2000x256xi1>, vector<2000x256xf32>
    %get3A_44 = arith.constant 0 : index
    %get3A_45 = arith.constant 0 : index
    %get3A_46 = vector.load %arg8[%get3A_44, %get3A_45] : memref<256x256xf32, #tpu.memory_space<vmem>>, vector<256x256xf32>
    %dot_general3A_47 = arith.constant dense<0.000000e+00> : vector<2000x256xf32>
    %dot_general3A_48 = tpu.matmul %select_n3A, %get3A_46, %dot_general3A_47 {dimension_numbers = #tpu.dot_dimension_numbers<[1], [0], [0], [1], [0, 0, 1, 1], [], []>, transpose_lhs_hint = false} : vector<2000x256xf32>, vector<256x256xf32>, vector<2000x256xf32> -> vector<2000x256xf32>
    %get3A_49 = arith.constant 0 : index
    %get3A_50 = arith.constant 0 : index
    %get3A_51 = vector.load %arg9[%get3A_49, %get3A_50] : memref<1x256xf32, #tpu.memory_space<vmem>>, vector<1x256xf32>
    %add3A_52 = vector.broadcast %get3A_51 : vector<1x256xf32> to vector<2000x256xf32>
    %add3A_53 = arith.addf %dot_general3A_48, %add3A_52 : vector<2000x256xf32>
    %ge3A_54 = arith.constant 0.000000e+00 : f32
    %ge3A_55 = vector.broadcast %ge3A_54 : f32 to vector<2000x256xf32>
    %ge3A_56 = arith.cmpf oge, %add3A_53, %ge3A_55 : vector<2000x256xf32>
    %mul3A_57 = arith.constant 0.00999999977 : f32
    %mul3A_58 = vector.broadcast %mul3A_57 : f32 to vector<2000x256xf32>
    %mul3A_59 = arith.mulf %mul3A_58, %add3A_53 : vector<2000x256xf32>
    %select_n3A_60 = arith.select %ge3A_56, %add3A_53, %mul3A_59 : vector<2000x256xi1>, vector<2000x256xf32>
    %get3A_61 = arith.constant 0 : index
    %get3A_62 = arith.constant 0 : index
    %get3A_63 = vector.load %arg10[%get3A_61, %get3A_62] : memref<256x1xf32, #tpu.memory_space<vmem>>, vector<256x1xf32>
    %dot_general3A_64 = arith.constant dense<0.000000e+00> : vector<2000x1xf32>
    %dot_general3A_65 = tpu.matmul %select_n3A_60, %get3A_63, %dot_general3A_64 {dimension_numbers = #tpu.dot_dimension_numbers<[1], [0], [0], [1], [0, 0, 1, 1], [], []>, transpose_lhs_hint = false} : vector<2000x256xf32>, vector<256x1xf32>, vector<2000x1xf32> -> vector<2000x1xf32>
    %get3A_66 = arith.constant 0 : index
    %get3A_67 = arith.constant 0 : index
    %get3A_68 = vector.load %arg11[%get3A_66, %get3A_67] : memref<1x1xf32, #tpu.memory_space<vmem>>, vector<1x1xf32>
    %add3A_69 = vector.broadcast %get3A_68 : vector<1x1xf32> to vector<2000x1xf32>
    %add3A_70 = arith.addf %dot_general3A_65, %add3A_69 : vector<2000x1xf32>
    %max3A_71 = arith.constant 0.000000e+00 : f32
    %max3A_72 = vector.broadcast %max3A_71 : f32 to vector<2000x1xf32>
    %max3A_73 = arith.maximumf %add3A_70, %max3A_72 : vector<2000x1xf32>
    %abs3A = math.absf %add3A_70 : vector<2000x1xf32>
    %neg3A = arith.constant 0.000000e+00 : f32
    %neg3A_74 = vector.broadcast %neg3A : f32 to vector<2000x1xf32>
    %neg3A_75 = arith.subf %neg3A_74, %abs3A : vector<2000x1xf32>
    %exp3A = math.exp %neg3A_75 : vector<2000x1xf32>
    %log1p3A = math.log1p %exp3A : vector<2000x1xf32>
    %add3A_76 = arith.addf %max3A_73, %log1p3A : vector<2000x1xf32>
    %swap3A = arith.constant 0 : index
    %swap3A_77 = arith.constant 0 : index
    %swap3A_78 = vector.load %arg12[%swap3A, %swap3A_77] : memref<2000x1xf32, #tpu.memory_space<vmem>>, vector<2000x1xf32>
    tpu.vector_store %arg12[%swap3A, %swap3A_77], %add3A_76 {strides = array<i32>} : memref<2000x1xf32, #tpu.memory_space<vmem>>, vector<2000x1xf32>,
    %reduce_sum3A = vector.shape_cast %add3A_76 : vector<2000x1xf32> to vector<1x2000x1xf32>
    %reduce_sum3A_79 = arith.constant dense<0.000000e+00> : vector<1xf32>
    %reduce_sum3A_80 = vector.multi_reduction <add>, %reduce_sum3A, %reduce_sum3A_79 [1, 2] : vector<1x2000x1xf32> to vector<1xf32>
    %reduce_sum3A_81 = vector.shape_cast %reduce_sum3A_80 : vector<1xf32> to vector<1x1x1xf32>
    %reduce_sum3A_82 = vector.extract %reduce_sum3A_81[0, 0, 0] : f32 from vector<1x1x1xf32>
    %eq3A = arith.constant 0 : i32
    %eq3A_83 = arith.cmpi eq, %arg0, %eq3A : i32
    %get3A_84 = arith.constant 0 : index
    %get3A_85 = memref.load %arg14[%get3A_84] : memref<1xf32, #tpu.memory_space<smem>>
    %add3A_86 = arith.addf %get3A_85, %reduce_sum3A_82 : f32
    %select_n3A_87 = arith.select %eq3A_83, %reduce_sum3A_82, %add3A_86 : f32
    %swap3A_88 = arith.constant 0 : index
    %swap3A_89 = memref.load %arg14[%swap3A_88] : memref<1xf32, #tpu.memory_space<smem>>
    memref.store %select_n3A_87, %arg14[%swap3A_88] : memref<1xf32, #tpu.memory_space<smem>>
    %eq3A_90 = arith.constant 4 : i32
    %eq3A_91 = arith.cmpi eq, %arg0, %eq3A_90 : i32
    %convert_element_type3A_92 = arith.extui %eq3A_91 : i1 to i32
    %cond3A = arith.constant 0 : i32
    %cond3A_93 = arith.cmpi ne, %convert_element_type3A_92, %cond3A : i32
    scf.if %cond3A_93 {
      %get3A_94 = arith.constant 0 : index
      %get3A_95 = memref.load %arg14[%get3A_94] : memref<1xf32, #tpu.memory_space<smem>>
      %swap3A_96 = arith.constant 0 : index
      %swap3A_97 = arith.constant 0 : index
      %swap3A_98 = memref.load %arg13[%swap3A_96, %swap3A_97] : memref<1x1xf32, #tpu.memory_space<smem>>
      memref.store %get3A_95, %arg13[%swap3A_96, %swap3A_97] : memref<1x1xf32, #tpu.memory_space<smem>>
    } else {
    }
    return
  }
  func.func @transform_0(%arg0: i32) -> (i32, i32, i32) {
    %c0_i32 = arith.constant 0 : i32
    %c0_i32_0 = arith.constant 0 : i32
    %c0_i32_1 = arith.constant 0 : i32
    return %c0_i32, %arg0, %c0_i32_0 : i32, i32, i32
  }
  func.func @transform_1(%arg0: i32) -> (i32, i32) {
    %c0_i32 = arith.constant 0 : i32
    %c0_i32_0 = arith.constant 0 : i32
    return %arg0, %c0_i32 : i32, i32
  }
  func.func @transform_2(%arg0: i32) -> (i32, i32) {
    %c0_i32 = arith.constant 0 : i32
    %c0_i32_0 = arith.constant 0 : i32
    return %arg0, %c0_i32 : i32, i32
  }
  func.func @transform_3(%arg0: i32) -> (i32, i32) {
    %c0_i32 = arith.constant 0 : i32
    %c0_i32_0 = arith.constant 0 : i32
    return %arg0, %c0_i32 : i32, i32
  }
  func.func @transform_4(%arg0: i32) -> (i32, i32) {
    %c0_i32 = arith.constant 0 : i32
    %c0_i32_0 = arith.constant 0 : i32
    %c0_i32_1 = arith.constant 0 : i32
    return %c0_i32, %c0_i32_0 : i32, i32
  }
  func.func @transform_5(%arg0: i32) -> (i32, i32) {
    %c0_i32 = arith.constant 0 : i32
    %c0_i32_0 = arith.constant 0 : i32
    %c0_i32_1 = arith.constant 0 : i32
    return %c0_i32, %c0_i32_0 : i32, i32
  }
  func.func @transform_6(%arg0: i32) -> (i32, i32) {
    %c0_i32 = arith.constant 0 : i32
    %c0_i32_0 = arith.constant 0 : i32
    %c0_i32_1 = arith.constant 0 : i32
    return %c0_i32, %c0_i32_0 : i32, i32
  }
  func.func @transform_7(%arg0: i32) -> (i32, i32) {
    %c0_i32 = arith.constant 0 : i32
    %c0_i32_0 = arith.constant 0 : i32
    %c0_i32_1 = arith.constant 0 : i32
    return %c0_i32, %c0_i32_0 : i32, i32
  }
  func.func @transform_8(%arg0: i32) -> (i32, i32) {
    %c0_i32 = arith.constant 0 : i32
    %c0_i32_0 = arith.constant 0 : i32
    %c0_i32_1 = arith.constant 0 : i32
    return %c0_i32, %c0_i32_0 : i32, i32
  }
  func.func @transform_9(%arg0: i32) -> (i32, i32) {
    %c0_i32 = arith.constant 0 : i32
    %c0_i32_0 = arith.constant 0 : i32
    %c0_i32_1 = arith.constant 0 : i32
    return %c0_i32, %c0_i32_0 : i32, i32
  }
  func.func @transform_10(%arg0: i32) -> (i32, i32) {
    %c0_i32 = arith.constant 0 : i32
    %c0_i32_0 = arith.constant 0 : i32
    %c0_i32_1 = arith.constant 0 : i32
    return %c0_i32, %c0_i32_0 : i32, i32
  }
  func.func @transform_11(%arg0: i32) -> (i32, i32) {
    %c0_i32 = arith.constant 0 : i32
    %c0_i32_0 = arith.constant 0 : i32
    return %arg0, %c0_i32 : i32, i32
  }
  func.func @transform_12(%arg0: i32) -> (i32, i32) {
    %c0_i32 = arith.constant 0 : i32
    %c0_i32_0 = arith.constant 0 : i32
    %c0_i32_1 = arith.constant 0 : i32
    return %c0_i32, %c0_i32_0 : i32, i32
  }
}

module attributes {stable_mosaic.version = 14 : i64} {
  func.func @_norm_body(%arg0: memref<1x10000xf32, #tpu.memory_space<vmem>>, %arg1: memref<1xf32, #tpu.memory_space<smem>>, %arg2: memref<1x10000xf32, #tpu.memory_space<vmem>>) attributes {dimension_semantics = [], scalar_prefetch = 0 : i64, scratch_operands = 0 : i64, tpu.core_type = #tpu.core_type<tc>} {
    %get3A = arith.constant 0 : index
    %get3A_0 = arith.constant 0 : index
    %get3A_1 = vector.load %arg0[%get3A, %get3A_0] : memref<1x10000xf32, #tpu.memory_space<vmem>>, vector<1x10000xf32>
    %get3A_2 = arith.constant 0 : index
    %get3A_3 = memref.load %arg1[%get3A_2] : memref<1xf32, #tpu.memory_space<smem>>
    %add3A = arith.constant 9.99999968E-21 : f32
    %add3A_4 = arith.addf %get3A_3, %add3A : f32
    %div3A = arith.constant 1.000000e+00 : f32
    %div3A_5 = arith.divf %div3A, %add3A_4 : f32
    %mul3A = vector.broadcast %div3A_5 : f32 to vector<1x10000xf32>
    %mul3A_6 = arith.mulf %get3A_1, %mul3A : vector<1x10000xf32>
    %swap3A = arith.constant 0 : index
    %swap3A_7 = arith.constant 0 : index
    %swap3A_8 = vector.load %arg2[%swap3A, %swap3A_7] : memref<1x10000xf32, #tpu.memory_space<vmem>>, vector<1x10000xf32>
    tpu.vector_store %arg2[%swap3A, %swap3A_7], %mul3A_6 {strides = array<i32>} : memref<1x10000xf32, #tpu.memory_space<vmem>>, vector<1x10000xf32>,
    return
  }
}

</mosaic_0001>

<sc_bundles>
// kernel: kernel.11.cloned.1.call-start
scs
__scs_entry_jumppad:
0x0: {  	(pc) =	sbr.rel $0x88, $3  }
0x1: {  	(tag) =	ssettag $0x0;
	lr =	simm.s32 $0x1  }
0x2: {  	[smem:$0x3F97] =	sst lr;
	_ =	strace $0xD0000000  }
0x3: {  	_ = 	snop  }
0x4: {  	_ = 	snop  }
0x5: {  	_ = 	snop  }
0x6: {  	_ = 	snop  }
0x7: {  	_ = 	snop  }
__scs_overlays_trampoline_lowered:
0x8: {  	[smem:$0x3FA6] =	sst s0  }
0x9: {  	[smem:$0x3FA7] =	sst s1  }
0xa: {  	[smem:$0x3FA8] =	sst s2  }
0xb: {  	[smem:$0x3FA9] =	sst s3  }
0xc: {  	[smem:$0x3FAA] =	sst s4  }
0xd: {  	[smem:$0x3FAB] =	sst s5  }
0xe: {  	[smem:$0x3FAC] =	sst s6  }
0xf: {  	[smem:$0x3FAD] =	sst s7  }
0x10: {  	[smem:$0x3FAE] =	sst s8  }
0x11: {  	[smem:$0x3FAF] =	sst s9;
	s0 =	simm.s32 @!p0 $0x0  }
0x12: {  	s1 =	sld [smem:$0x3F95];
	s0 =	simm.s32 @p0 $0x1  }
0x13: {  	[smem:$0x3FB0] =	sst s0;
	s0 =	simm.s32 @!p1 $0x0  }
0x14: {  	s2 =	sld [smem:$0x3F94];
	s0 =	simm.s32 @p1 $0x1  }
0x15: {  	[smem:$0x3FB1] =	sst s0;
	s0 =	simm.s32 @!p2 $0x0  }
0x16: {  	s3 =	sld [smem:$0x3FDB];
	s0 =	simm.s32 @p2 $0x1  }
0x17: {  	s4 =	simm.s32 $0x1BF5;
	[smem:$0x3FB3] =	sst s0  }
0x18: {  	s0 =	sld [smem:$0x3F96];
	_ =	swait.ge [sflag:s4], $0x0  }
0x19: {  	s7 =	sld [smem:$0x3F97]  }
0x1a: {  	s8 =	sadd.s32 $0xFFFFE003, lr  }
0x1b: {  	s9 =	sadd.s32 $0xFFFFFEF7, lr;
	s5 =	simm.s32 $0xFFFFFFFF;
	p2 =	slt.u32 s8, $0xFFFFF086  }
0x1c: {  	p1 =	slt.u32 s9, $0xF7A;
	s5 =	simm.s32 @!p2 $0x0  }
0x1d: {  	s5 =	simm.s32 @p1 $0x1;
	p0 =	seq.s32 s7, s2  }
0x1e: {  	s7 =	smul.u32 @!p0 $0xF7A, s2;
	p2 =	seq.s32 @!p0 s5, $0x0  }
0x1f: {  	s9 =	smul.u32 $0xF7A, s1;
	s8 =	simm.s32 @!p0 $0x1BF5;
	p2 =	por !p2, p0  }
0x20: {  	[sflag:s8] =	ssyncset.s32 @!p0 $0xFFFFF086;
	s6 =	sadd.s32 @!p0 s3, s7;
	s7 =	simm.s32 @!p0 $0x108  }
0x21: {  	s3 =	sadd.s32 s3, s9;
	s6 =	sadd.s32 @!p0 $0x88, s6;
	s7 =	simm.s32 @p2 $0x1082  }
0x22: {  	[simem:s7], [sflag:s8] =	dma.local @!p0 [hbm:s6], $0xF7A  }
0x23: {  	s9 =	sor.u32 $0xD0000000, s2;
	s6 =	simm.s32 $0x108;
	_ =	swait.ge @!p0 [sflag:s8], $0x0  }
0x24: {  	s3 =	sadd.s32 $0x88, s3;
	s6 =	simm.s32 @!p1 $0x1082;
	[sflag:s4] =	ssyncset.s32 $0xFFFFF086  }
0x25: {  	[simem:s6], [sflag:s4] =	dma.local [hbm:s3], $0xF7A  }
0x26: {  	[smem:$0x3F97] =	sst s1;
	(tag) =	ssettag s2;
	_ =	strace s9  }
0x27: {  	s1 =	sld [smem:$0x3FA7]  }
0x28: {  	s2 =	sld [smem:$0x3FA8]  }
0x29: {  	s4 =	sld [smem:$0x3FAA]  }
0x2a: {  	p0 =	seq.s32 s5, $0x0;
	s5 =	sld [smem:$0x3FAB]  }
0x2b: {  	s6 =	sld [smem:$0x3FAC]  }
0x2c: {  	s7 =	sld [smem:$0x3FAD]  }
0x2d: {  	s3 =	simm.s32 $0x108;
	s8 =	sld [smem:$0x3FAE]  }
0x2e: {  	s3 =	simm.s32 @!p0 $0x1082;
	s9 =	sld [smem:$0x3FAF]  }
0x2f: {  	lr =	sadd.s32 s0, s3;
	s0 =	sld [smem:$0x3FA6]  }
0x30: {  	s3 =	sld [smem:$0x3FA9]  }
0x31: {  	[smem:$0x3FB2] =	sst s10  }
0x32: {  	s10 =	sld [smem:$0x3FB0];
	_ =	sdelay $0x3  }
0x33: {  	p0 =	seq.s32 s10, $0x1;
	s10 =	sld [smem:$0x3FB2];
	_ =	sdelay $0x3  }
0x34: {  	[smem:$0x3FB2] =	sst s10  }
0x35: {  	s10 =	sld [smem:$0x3FB1];
	_ =	sdelay $0x3  }
0x36: {  	p1 =	seq.s32 s10, $0x1;
	s10 =	sld [smem:$0x3FB2];
	_ =	sdelay $0x3  }
0x37: {  	[smem:$0x3FB2] =	sst s10  }
0x38: {  	s10 =	sld [smem:$0x3FB3]  }
0x39: {  	_ = 	snop;
	(pc) =	sbr.ind lr, $3  }
0x3a: {  	_ = 	snop  }
0x3b: {  	_ = 	snop  }
0x3c: {  	p2 =	seq.s32 s10, $0x1;
	s10 =	sld [smem:$0x3FB2]  }
0x3d: {  	_ =	shalt  }
0x3e: {  	_ =	shalt  }
0x3f: {  	_ =	shalt  }
0x40: {  	_ =	shalt  }
0x41: {  	_ =	shalt  }
0x42: {  	_ =	shalt  }
0x43: {  	_ =	shalt  }
0x44: {  	_ =	shalt  }
0x45: {  	_ =	shalt  }
0x46: {  	_ =	shalt  }
0x47: {  	_ =	shalt  }
0x48: {  	_ =	shalt  }
0x49: {  	_ =	shalt  }
0x4a: {  	_ =	shalt  }
0x4b: {  	_ =	shalt  }
0x4c: {  	_ =	shalt  }
0x4d: {  	_ =	shalt  }
0x4e: {  	_ =	shalt  }
0x4f: {  	_ =	shalt  }
0x50: {  	_ =	shalt  }
0x51: {  	_ =	shalt  }
0x52: {  	_ =	shalt  }
0x53: {  	_ =	shalt  }
0x54: {  	_ =	shalt  }
0x55: {  	_ =	shalt  }
0x56: {  	_ =	shalt  }
0x57: {  	_ =	shalt  }
0x58: {  	_ =	shalt  }
0x59: {  	_ =	shalt  }
0x5a: {  	_ =	shalt  }
0x5b: {  	_ =	shalt  }
0x5c: {  	_ =	shalt  }
0x5d: {  	_ =	shalt  }
0x5e: {  	_ =	shalt  }
0x5f: {  	_ =	shalt  }
0x60: {  	_ =	shalt  }
0x61: {  	_ =	shalt  }
0x62: {  	_ =	shalt  }
0x63: {  	_ =	shalt  }
0x64: {  	_ =	shalt  }
0x65: {  	_ =	shalt  }
0x66: {  	_ =	shalt  }
0x67: {  	_ =	shalt  }
0x68: {  	_ =	shalt  }
0x69: {  	_ =	shalt  }
0x6a: {  	_ =	shalt  }
0x6b: {  	_ =	shalt  }
0x6c: {  	_ =	shalt  }
0x6d: {  	_ =	shalt  }
0x6e: {  	_ =	shalt  }
0x6f: {  	_ =	shalt  }
0x70: {  	_ =	shalt  }
0x71: {  	_ =	shalt  }
0x72: {  	_ =	shalt  }
0x73: {  	_ =	shalt  }
0x74: {  	_ =	shalt  }
0x75: {  	_ =	shalt  }
0x76: {  	_ =	shalt  }
0x77: {  	_ =	shalt  }
0x78: {  	_ =	shalt  }
0x79: {  	_ =	shalt  }
0x7a: {  	_ =	shalt  }
0x7b: {  	_ =	shalt  }
0x7c: {  	_ =	shalt  }
0x7d: {  	_ =	shalt  }
0x7e: {  	_ =	shalt  }
0x7f: {  	_ =	shalt  }
0x80: {  	_ =	shalt  }
0x81: {  	_ =	shalt  }
0x82: {  	_ =	shalt  }
0x83: {  	_ =	shalt  }
0x84: {  	_ =	shalt  }
0x85: {  	_ =	shalt  }
0x86: {  	_ =	shalt  }
0x87: {  	_ =	shalt  }
.Lfunc_end0:
.L_simem_size_0:
called_computation.1_lowered:
.L_overlay_start_0:
0x88: {  	s2 =	sld [smem:$0x3FD9]  }
0x89: {  	s3 =	sld [smem:$0x3FFE];
	_ =	sdelay $0x1  }
0x8a: {  	s1 =	srdreg.scid  }
0x8b: {  	s0 =	sand.u32 $0x1, s1  }
0x8c: {  	s16 =	sshll.u32 s0, $0xA;
	s2 =	sadd.s32 s3, s2  }
0x8d: {  	s2 =	sadd.s32 s2, s16  }
0x8e: {  	[smem:$0x3FBE] =	sst s2  }
0x8f: {  	_ = 	snop  }
0x90: {  	(tm) =	ssettm $0x1  }
0x91: {  	s17 =	sld [smem:$0x3FFB];
	_ =	sdelay $0x3  }
0x92: {  	_ =	strace s17  }
0x93: {  	s2 =	sld [smem:$0x3FFC];
	_ =	sdelay $0x3  }
0x94: {  	_ =	strace s2  }
0x95: {  	s2 =	sld [smem:$0x3FFD];
	_ =	sdelay $0x3  }
0x96: {  	_ =	strace s2  }
0x97: {  	_ =	strace $0x8FFFFFFF  }
0x98: {  	s18 =	sld [smem:$0x3FDB];
	_ =	sdelay $0x1  }
0x99: {  	s19 =	simm.s32 $_scs_section_size  }
0x9a: {  	s4 =	simm.s32 $_size__tile_overlayer_lowered;
	s5 =	simm.s32 $_tile_overlayer_lowered  }
0x9b: {  	s22 =	simm.s32 $0x1BFF;
	s21 =	sshll.u32 s5, $0x1;
	s2 =	sadd.s32 s19, s18  }
0x9c: {  	s6 =	simm.s32 $0x0;
	s20 =	sshll.u32 s4, $0x1;
	s4 =	sadd.s32 s21, s2  }
0x9d: {  	[timem:s6], [sflag:s22] =	dma.local [hbm:s4], s20  }
0x9e: {  	_ =	swait.ge [sflag:s22], s20  }
0x9f: {  	s3 =	ssub.s32 $0x0, s20;
	[sflag:s22] =	ssyncset.done $0x0  }
0xa0: {  	[sflag:s22] =	ssyncadd.s32 s3;
	_ =	sdelay $0x1  }
0xa1: {  	s23 =	simm.s32 $0x1B8B  }
0xa2: {  	_ =	swait.ge [sflag:s23], $0x1  }
0xa3: {  	[sflag:s23] =	ssyncset.done $0x0  }
0xa4: {  	s25 =	simm.s32 $0x1B8E;
	s24 =	sld [smem:$0x3FFE];
	[sflag:s23] =	ssyncadd.s32 $0xFFFFFFFF  }
0xa5: {  	s26 =	simm.s32 $execute0_lowered;
	[smem:$0x3FD2] =	sst s25  }
0xa6: {  	s4 =	sshll.u32 s26, $0x1;
	_ =	strace $0x80000049;
	[dreg:$0x1] =	wrdreg $0xFFFFFFFF  }
0xa7: {  	s28 =	simm.s32 $_size_execute0_lowered;
	s2 =	sadd.s32 s2, s4;
	[dreg:$0x0] =	wrdreg $0x0  }
0xa8: {  	s4 =	sshll.u32 s28, $0x1;
	[dreg:$0x2] =	wrdreg s2  }
0xa9: {  	[dreg:$0x3] =	wrdreg s4  }
0xaa: {  	[dreg:$0x4] =	wrdreg $0xC0  }
0xab: {  	_ =	task [dreg:s6], $0x5FFFF  }
0xac: {  	[dreg:$0x1] =	wrdreg $0xFFFFFFFF  }
0xad: {  	[dreg:$0x0] =	wrdreg $0x60  }
0xae: {  	[dreg:$0x2] =	wrdreg s24  }
0xaf: {  	[dreg:$0x3] =	wrdreg $0x144800  }
0xb0: {  	[dreg:$0x4] =	wrdreg $0xA8000  }
0xb1: {  	[dreg:$0x5] =	wrdreg $0x9  }
0xb2: {  	_ =	task.clear_ibuf [dreg:s6], $0x6FFFF;
	_ =	strace $0x90000049  }
0xb3: {  	s29 =	simm.s32 $0x9;
	_ =	strace $0x8000004B  }
0xb4: {  	_ =	swait.ge [sflag:s29], $0x1  }
0xb5: {  	[sflag:s29] =	ssyncadd.s32 $0xFFFFFFFF  }
0xb6: {  	_ =	strace $0x9000004B  }
0xb7: {  	_ =	sfence  }
0xb8: {  	s30 =	sld [smem:$0x0];
	_ =	sdelay $0x2  }
0xb9: {  	s31 =	sshll.u32 s1, $0xD;
	s1 =	sshrl.u32 s1, $0x2  }
0xba: {  	s3 =	sand.u32 $0x4000, s31;
	s1 =	sadd.s32 s1, s30  }
0xbb: {  	s0 =	sor.u32 s3, s0;
	s1 =	sshll.u32 s1, $0x11  }
0xbc: {  	s0 =	sor.u32 s1, s0  }
0xbd: {  	s0 =	sadd.s32 $0x8F2B, s0  }
0xbe: {  	[sflag:s0] =	ssyncadd.remote.s32 $0x1  }
0xbf: {  	_ =	sfence.sel $0xFFFF  }
0xc0: {  	[dreg:$0x0] =	wrdreg $0xFFFFFFFF;
	(pc) =	sbr.abs _section_cstart, $3  }
0xc1: {  	[dreg:$0x1] =	wrdreg $0xFFFFFFFF  }
0xc2: {  	_ =	task.clear_ibuf [dreg:s6], $0x2FFFF;
	_ =	strace $0x9FFFFFFF  }
0xc3: {  	(tm) =	ssettm $0x7FFFFFFF  }
tec
execute0_lowered:
.L_overlay_start_1:
0x0: {  	(tag) =	ssettag $0x1  }
0x1: {  	s0 =	srdreg.scid;
	s1 =	rddreg [dreg:$0x0]  }
0x2: {  	s2 =	rddreg [dreg:$0x1];
	s16 =	stileid.u32  }
0x3: {  	s3 =	rddreg [dreg:$0x2];
	s19 =	simm.s32 $0x2800;
	s20 =	simm.s32 $0x80  }
0x4: {  	s28 =	simm.s32 $0x2;
	s29 =	simm.s32 $0x3;
	s30 =	simm.s32 $0x4  }
0x5: {  	s31 =	simm.s32 $0x5;
	s17 =	simm.s32 $0x7;
	s5 =	smul.u32 $0x13880, s16  }
0x6: {  	s0 =	sand.u32 $0x1, s0;
	s10 =	smul.u32 $0x27100, s16;
	s13 =	sadd.s32 $0x9C400, s3  }
0x7: {  	p0 =	sne.s32 s16, $0xF;
	s4 =	sshll.u32 s0, $0x4;
	s8 =	smul.u32 $0x138800, s0  }
0x8: {  	s0 =	ssub.s32 $0x2, s0;
	s6 =	sor.u32 s16, s4;
	s4 =	simm.s32 $0x0  }
0x9: {  	s7 =	sshrl.u32 s5, $0x4;
	s9 =	sshrl.u32 s0, $0x1;
	s22 =	sshrl.u32 s10, $0x2  }
0xa: {  	s16 =	simm.s32 $0x9;
	s6 =	smul.u32 $0x1400, s6;
	[smem:$0x7FF] =	sst s4  }
0xb: {  	s7 =	sadd.s32 s7, s1;
	s8 =	sadd.s32 s5, s8;
	s0 =	ssub.s32 s0, s9  }
0xc: {  	s5 =	sshrl.u32 s5, $0x1;
	s24 =	sadd.s32 s22, s3;
	s22 =	simm.s32 $0x100  }
0xd: {  	_ =	strace $0x8000004A;
	s8 =	sshrl.u32 s8, $0x4;
	s23 =	sadd.s32 s5, s2  }
0xe: {  	s7 =	sadd.s32 $0xBE00, s7;
	s25 =	sadd.s32 $0x2000, s24;
	s26 =	sadd.s32 $0x4000, s24  }
0xf: {  	s11 =	sadd.s32 $0x6000, s24;
	s12 =	sadd.s32 $0x8000, s24;
	[dreg:$0x6] =	wrdreg s7  }
0x10: {  	s15 =	smax.u32 s0, $0x1;
	s24 =	simm.s32 $0x180;
	[dreg:$0x7] =	wrdreg s25  }
0x11: {  	s0 =	simm.s32 $0x8;
	s6 =	sshrl.u32 s6, $0x3;
	[dreg:$0x8] =	wrdreg s26  }
0x12: {  	s18 =	sshrl.u32 s23, $0x3;
	s23 =	simm.s32 $0x6800;
	s25 =	simm.s32 $0x8800  }
0x13: {  	s26 =	simm.s32 $0x1;
	s6 =	sadd.s32 s6, s1;
	s1 =	sadd.s32 s8, s1  }
0x14: {  	s8 =	sadd.s32 s5, s3;
	s5 =	simm.s32 $0x0;
	s21 =	sadd.s32 $0x1E00, s6  }
0x15: {  	s6 =	sadd.s32 $0x6E00, s6;
	s14 =	sadd.s32 $0x1F800, s1;
	[dreg:$0x4] =	wrdreg s21  }
0x16: {  	v0 =	vimm.bf16 $0.0e+00;
	s1 =	simm.s32 $0x6;
	[dreg:$0x5] =	wrdreg s6;
	s21 =	simm.s32 $0x4800  }
.LBB2_1:
0x17: {  	s7 =	simm.s32 $0x100;
	s6 =	simm.s32 $0x0  }
.LBB2_2:
0x18: {  	p1 =	sne.s32 s7, $0x7F00;
	[tilespmem:s6+$0x2830] =	vst v0;
	s9 =	smov.u32 s7;
	s7 =	sadd.s32 $0x100, s7  }
.Ltmp0:
0x19: {  	[tilespmem:s6+$0x2820] =	vst v0;
	(pc) =	sbr.rel @p1 .LBB2_2-.Ltmp0, $3  }
0x1a: {  	[tilespmem:s6+$0x2800] =	vst v0  }
0x1b: {  	[tilespmem:s6+$0x2810] =	vst v0;
	_ =	sdelay $0x1  }
0x1c: {  	s6 =	sshra.s32 s9, $0x2  }
0x1d: {  	[tilespmem:s6+$0x2830] =	vst v0  }
0x1e: {  	[tilespmem:s6+$0x2820] =	vst v0  }
0x1f: {  	[tilespmem:s6+$0x2800] =	vst v0  }
0x20: {  	[tilespmem:s6+$0x2810] =	vst v0;
	s9 =	rddreg [dreg:$0x4]  }
0x21: {  	[tilespmem:s4], [sflag:$0x9] =	stream.linear.gather [hbm4b:s9+s4], $0x1400, $0x38;
	[tilespmem:$0x1E0C0] =	vst v63  }
0x22: {  	_ =	swait.ge [sflag:s16], $0x1400  }
0x23: {  	[sflag:s16] =	ssyncset.done $0x0  }
0x24: {  	s7 =	simm.s32 $0x1400;
	s10 =	rddreg [dreg:$0x5];
	[sflag:s16] =	ssyncadd.s32 $0xFFFFEC00  }
0x25: {  	[tilespmem:s7], [sflag:$0x9] =	stream.linear.gather [hbm4b:s10+s4], $0x1400, $0x38;
	[tilespmem:$0x1E0C0] =	vst v63  }
0x26: {  	s9 =	stileid.u32;
	_ =	swait.ge [sflag:s16], $0x1400  }
0x27: {  	s6 =	sshll.u32 s9, $0x6;
	[sflag:s16] =	ssyncset.done $0x0  }
0x28: {  	s6 =	sor.u32 $0x1C09, s6;
	s10 =	rddreg [dreg:$0x6];
	[sflag:s16] =	ssyncadd.s32 $0xFFFFEC00  }
0x29: {  	[spmem:s18], [sflag:s6] =	dma.local [hbm:s10], $0x1388  }
0x2a: {  	_ =	swait.ge [sflag:s16], $0x1388  }
0x2b: {  	[sflag:s16] =	ssyncset.done $0x0  }
0x2c: {  	[sflag:s16] =	ssyncadd.s32 $0xFFFFEC78  }
0x2d: {  	[spmem:s8] =	stream.linear.scatter [tilespmem:s19], [sflag:$0x9], $0x2000, $0x38;
	[tilespmem:$0x1E0C0] =	vst v63  }
0x2e: {  	_ =	swait.ge [sflag:s16], $0x2000  }
0x2f: {  	[sflag:s16] =	ssyncset.done $0x0  }
0x30: {  	s9 =	rddreg [dreg:$0x7];
	[sflag:s16] =	ssyncadd.s32 $0xFFFFE000  }
0x31: {  	[spmem:s9] =	stream.linear.scatter [tilespmem:s19], [sflag:$0x9], $0x2000, $0x38;
	[tilespmem:$0x1E0C0] =	vst v63  }
0x32: {  	_ =	swait.ge [sflag:s16], $0x2000  }
0x33: {  	[sflag:s16] =	ssyncset.done $0x0  }
0x34: {  	s10 =	rddreg [dreg:$0x8];
	[sflag:s16] =	ssyncadd.s32 $0xFFFFE000  }
0x35: {  	[spmem:s10] =	stream.linear.scatter [tilespmem:s19], [sflag:$0x9], $0x2000, $0x38;
	[tilespmem:$0x1E0C0] =	vst v63  }
0x36: {  	_ =	swait.ge [sflag:s16], $0x2000  }
0x37: {  	[sflag:s16] =	ssyncset.done $0x0  }
0x38: {  	[sflag:s16] =	ssyncadd.s32 $0xFFFFE000  }
0x39: {  	[spmem:s11] =	stream.linear.scatter [tilespmem:s19], [sflag:$0x9], $0x2000, $0x38;
	[tilespmem:$0x1E0C0] =	vst v63  }
0x3a: {  	_ =	swait.ge [sflag:s16], $0x2000  }
0x3b: {  	[sflag:s16] =	ssyncset.done $0x0  }
0x3c: {  	[sflag:s16] =	ssyncadd.s32 $0xFFFFE000  }
0x3d: {  	[spmem:s12] =	stream.linear.scatter [tilespmem:s19], [sflag:$0x9], $0x1C40, $0x38;
	[tilespmem:$0x1E0C0] =	vst v63  }
0x3e: {  	_ =	swait.ge [sflag:s16], $0x1C40  }
0x3f: {  	[sflag:s16] =	ssyncset.done $0x0  }
0x40: {  	s7 =	simm.s32 @!p0 $0x2800;
	[sflag:s16] =	ssyncadd.s32 $0xFFFFE3C0  }
0x41: {  	[spmem:s13] =	stream.linear.scatter @!p0 [tilespmem:s7], [sflag:$0x9], $0x400, $0x38;
	[tilespmem:$0x1E0C0] =	vst v63  }
0x42: {  	s7 =	simm.s32 @!p0 $0x9  }
0x43: {  	_ =	swait.ge @!p0 [sflag:s7], $0x400  }
0x44: {  	[sflag:s7] =	ssyncset.done @!p0 $0x0  }
0x45: {  	[sflag:s7] =	ssyncadd.s32 @!p0 $0xFFFFFC00  }
0x46: {  	s9 =	simm.s32 $0x0;
	[bflag:$0x0] =	sbarrier.arrive $0xFFFF  }
0x47: {  	[tilespmem:s19], [sflag:$0x1] =	stream.indirect.gather [spmem:s2], $0x40, s9, s20, $0xb8;
	[tilespmem:$0x1E0C0] =	vst v63  }
0x48: {  	_ = 	snop  }
0x49: {  	[tilespmem:s21], [sflag:$0x2] =	stream.indirect.gather [spmem:s2], $0x40, s20, s20, $0xb8;
	[tilespmem:$0x1E0C0] =	vst v63  }
0x4a: {  	_ = 	snop  }
0x4b: {  	[tilespmem:s23], [sflag:$0x3] =	stream.indirect.gather [spmem:s2], $0x40, s22, s20, $0xb8;
	[tilespmem:$0x1E0C0] =	vst v63  }
0x4c: {  	_ = 	snop  }
0x4d: {  	[tilespmem:s25], [sflag:$0x4] =	stream.indirect.gather [spmem:s2], $0x40, s24, s20, $0xb8;
	[tilespmem:$0x1E0C0] =	vst v63  }
0x4e: {  	_ =	swait.ge [sflag:s26], $0x2000  }
0x4f: {  	[sflag:s26] =	ssyncset.done $0x0  }
0x50: {  	s10 =	simm.s32 $0x1400;
	[sflag:s26] =	ssyncadd.s32 $0xFFFFE000  }
0x51: {  	[spmem:s3] =	stream.indirect.scatter.add.bf16 [tilespmem:s19], [sflag:$0x5], $0x40, s10, s20, $0xb8;
	[tilespmem:$0x1E0C0] =	vst v63  }
0x52: {  	_ =	swait.ge [sflag:s28], $0x2000  }
0x53: {  	[sflag:s28] =	ssyncset.done $0x0  }
0x54: {  	s9 =	simm.s32 $0x1480;
	[sflag:s28] =	ssyncadd.s32 $0xFFFFE000  }
0x55: {  	[spmem:s3] =	stream.indirect.scatter.add.bf16 [tilespmem:s21], [sflag:$0x6], $0x40, s9, s20, $0xb8;
	[tilespmem:$0x1E0C0] =	vst v63  }
0x56: {  	_ =	swait.ge [sflag:s29], $0x2000  }
0x57: {  	[sflag:s29] =	ssyncset.done $0x0  }
0x58: {  	s10 =	simm.s32 $0x1500;
	[sflag:s29] =	ssyncadd.s32 $0xFFFFE000  }
0x59: {  	[spmem:s3] =	stream.indirect.scatter.add.bf16 [tilespmem:s23], [sflag:$0x7], $0x40, s10, s20, $0xb8;
	[tilespmem:$0x1E0C0] =	vst v63  }
0x5a: {  	_ =	swait.ge [sflag:s30], $0x2000  }
0x5b: {  	[sflag:s30] =	ssyncset.done $0x0  }
0x5c: {  	s9 =	simm.s32 $0x1580;
	[sflag:s30] =	ssyncadd.s32 $0xFFFFE000  }
0x5d: {  	[spmem:s3] =	stream.indirect.scatter.add.bf16 [tilespmem:s25], [sflag:$0x8], $0x40, s9, s20, $0xb8;
	[tilespmem:$0x1E0C0] =	vst v63  }
0x5e: {  	_ =	swait.ge [sflag:s31], $0x2000  }
0x5f: {  	[sflag:s31] =	ssyncset.done $0x0  }
0x60: {  	s10 =	simm.s32 $0x200;
	[sflag:s31] =	ssyncadd.s32 $0xFFFFE000  }
0x61: {  	[tilespmem:s19], [sflag:$0x1] =	stream.indirect.gather [spmem:s2], $0x40, s10, s20, $0xb8;
	[tilespmem:$0x1E0C0] =	vst v63  }
0x62: {  	_ =	swait.ge [sflag:s1], $0x2000  }
0x63: {  	[sflag:s1] =	ssyncset.done $0x0  }
0x64: {  	s9 =	simm.s32 $0x280;
	[sflag:s1] =	ssyncadd.s32 $0xFFFFE000  }
0x65: {  	[tilespmem:s21], [sflag:$0x2] =	stream.indirect.gather [spmem:s2], $0x40, s9, s20, $0xb8;
	[tilespmem:$0x1E0C0] =	vst v63  }
0x66: {  	_ =	swait.ge [sflag:s17], $0x2000  }
0x67: {  	[sflag:s17] =	ssyncset.done $0x0  }
0x68: {  	s10 =	simm.s32 $0x300;
	[sflag:s17] =	ssyncadd.s32 $0xFFFFE000  }
0x69: {  	[tilespmem:s23], [sflag:$0x3] =	stream.indirect.gather [spmem:s2], $0x40, s10, s20, $0xb8;
	[tilespmem:$0x1E0C0] =	vst v63  }
0x6a: {  	_ =	swait.ge [sflag:s0], $0x2000  }
0x6b: {  	[sflag:s0] =	ssyncset.done $0x0  }
0x6c: {  	s7 =	simm.s32 $0x800;
	s9 =	simm.s32 $0x380;
	[sflag:s0] =	ssyncadd.s32 $0xFFFFE000  }
.LBB2_4:
0x6d: {  	[tilespmem:s25], [sflag:$0x4] =	stream.indirect.gather [spmem:s2], $0x40, s9, s20, $0xb8;
	[tilespmem:$0x1E0C0] =	vst v63  }
0x6e: {  	s9 =	smov.u32 s7  }
0x6f: {  	p1 =	sne.s32 s7, $0x4000;
	s7 =	sadd.s32 $0x800, s7;
	_ =	swait.ge [sflag:s26], $0x2000  }
0x70: {  	s9 =	sshra.s32 s9, $0x2;
	[sflag:s26] =	ssyncset.done $0x0  }
0x71: {  	s10 =	sadd.s32 $0x1400, s9;
	[sflag:s26] =	ssyncadd.s32 $0xFFFFE000  }
0x72: {  	[spmem:s3] =	stream.indirect.scatter.add.bf16 [tilespmem:s19], [sflag:$0x5], $0x40, s10, s20, $0xb8;
	[tilespmem:$0x1E0C0] =	vst v63  }
0x73: {  	_ =	swait.ge [sflag:s28], $0x2000  }
0x74: {  	[sflag:s28] =	ssyncset.done $0x0  }
0x75: {  	s10 =	sadd.s32 $0x1480, s9;
	[sflag:s28] =	ssyncadd.s32 $0xFFFFE000  }
0x76: {  	[spmem:s3] =	stream.indirect.scatter.add.bf16 [tilespmem:s21], [sflag:$0x6], $0x40, s10, s20, $0xb8;
	[tilespmem:$0x1E0C0] =	vst v63  }
0x77: {  	_ =	swait.ge [sflag:s29], $0x2000  }
0x78: {  	[sflag:s29] =	ssyncset.done $0x0  }
0x79: {  	s10 =	sadd.s32 $0x1500, s9;
	[sflag:s29] =	ssyncadd.s32 $0xFFFFE000  }
0x7a: {  	[spmem:s3] =	stream.indirect.scatter.add.bf16 [tilespmem:s23], [sflag:$0x7], $0x40, s10, s20, $0xb8;
	[tilespmem:$0x1E0C0] =	vst v63  }
0x7b: {  	_ =	swait.ge [sflag:s30], $0x2000  }
0x7c: {  	[sflag:s30] =	ssyncset.done $0x0  }
0x7d: {  	s10 =	sadd.s32 $0x1580, s9;
	[sflag:s30] =	ssyncadd.s32 $0xFFFFE000  }
0x7e: {  	[spmem:s3] =	stream.indirect.scatter.add.bf16 [tilespmem:s25], [sflag:$0x8], $0x40, s10, s20, $0xb8;
	[tilespmem:$0x1E0C0] =	vst v63  }
0x7f: {  	_ =	swait.ge [sflag:s31], $0x2000  }
0x80: {  	[sflag:s31] =	ssyncset.done $0x0  }
0x81: {  	s10 =	sadd.s32 $0x200, s9;
	[sflag:s31] =	ssyncadd.s32 $0xFFFFE000  }
0x82: {  	[tilespmem:s19], [sflag:$0x1] =	stream.indirect.gather [spmem:s2], $0x40, s10, s20, $0xb8;
	[tilespmem:$0x1E0C0] =	vst v63  }
0x83: {  	_ =	swait.ge [sflag:s1], $0x2000  }
0x84: {  	[sflag:s1] =	ssyncset.done $0x0  }
0x85: {  	s10 =	sadd.s32 $0x280, s9;
	[sflag:s1] =	ssyncadd.s32 $0xFFFFE000  }
0x86: {  	[tilespmem:s21], [sflag:$0x2] =	stream.indirect.gather [spmem:s2], $0x40, s10, s20, $0xb8;
	[tilespmem:$0x1E0C0] =	vst v63  }
0x87: {  	_ =	swait.ge [sflag:s17], $0x2000  }
0x88: {  	[sflag:s17] =	ssyncset.done $0x0  }
.Ltmp1:
0x89: {  	s10 =	sadd.s32 $0x300, s9;
	[sflag:s17] =	ssyncadd.s32 $0xFFFFE000;
	(pc) =	sbr.rel @p1 .LBB2_4-.Ltmp1, $4  }
0x8a: {  	[tilespmem:s23], [sflag:$0x3] =	stream.indirect.gather [spmem:s2], $0x40, s10, s20, $0xb8;
	[tilespmem:$0x1E0C0] =	vst v63  }
0x8b: {  	_ =	swait.ge [sflag:s0], $0x2000  }
0x8c: {  	[sflag:s0] =	ssyncset.done $0x0  }
0x8d: {  	s9 =	sadd.s32 $0x380, s9;
	[sflag:s0] =	ssyncadd.s32 $0xFFFFE000  }
0x8e: {  	[tilespmem:s25], [sflag:$0x4] =	stream.indirect.gather [spmem:s2], $0x40, s9, s20, $0xb8;
	[tilespmem:$0x1E0C0] =	vst v63  }
0x8f: {  	_ =	swait.ge [sflag:s26], $0x2000  }
0x90: {  	[sflag:s26] =	ssyncset.done $0x0  }
0x91: {  	s7 =	simm.s32 $0x2600;
	[sflag:s26] =	ssyncadd.s32 $0xFFFFE000  }
0x92: {  	[spmem:s3] =	stream.indirect.scatter.add.bf16 [tilespmem:s19], [sflag:$0x5], $0x40, s7, s20, $0xb8;
	[tilespmem:$0x1E0C0] =	vst v63  }
0x93: {  	_ =	swait.ge [sflag:s28], $0x2000  }
0x94: {  	[sflag:s28] =	ssyncset.done $0x0  }
0x95: {  	s9 =	simm.s32 $0x2680;
	[sflag:s28] =	ssyncadd.s32 $0xFFFFE000  }
0x96: {  	[spmem:s3] =	stream.indirect.scatter.add.bf16 [tilespmem:s21], [sflag:$0x6], $0x40, s9, s20, $0xb8;
	[tilespmem:$0x1E0C0] =	vst v63  }
0x97: {  	_ =	swait.ge [sflag:s29], $0x2000  }
0x98: {  	[sflag:s29] =	ssyncset.done $0x0  }
0x99: {  	s10 =	simm.s32 $0x2700;
	[sflag:s29] =	ssyncadd.s32 $0xFFFFE000  }
0x9a: {  	[spmem:s3] =	stream.indirect.scatter.add.bf16 [tilespmem:s23], [sflag:$0x7], $0x40, s10, s20, $0xb8;
	[tilespmem:$0x1E0C0] =	vst v63  }
0x9b: {  	_ =	swait.ge [sflag:s30], $0x2000  }
0x9c: {  	[sflag:s30] =	ssyncset.done $0x0  }
0x9d: {  	s9 =	simm.s32 $0x2780;
	[sflag:s30] =	ssyncadd.s32 $0xFFFFE000  }
0x9e: {  	[spmem:s3] =	stream.indirect.scatter.add.bf16 [tilespmem:s25], [sflag:$0x8], $0x40, s9, s20, $0xb8;
	[tilespmem:$0x1E0C0] =	vst v63  }
0x9f: {  	_ =	swait.ge [sflag:s31], $0x2000  }
0xa0: {  	[sflag:s31] =	ssyncset.done $0x0  }
0xa1: {  	[sflag:s31] =	ssyncadd.s32 $0xFFFFE000  }
0xa2: {  	[tilespmem:s19], [sflag:$0x1] =	stream.indirect.gather [spmem:s2], $0x40, s4, s20, $0xb8;
	[tilespmem:$0x1E0C0] =	vst v63  }
0xa3: {  	_ =	swait.ge [sflag:s1], $0x2000  }
0xa4: {  	[sflag:s1] =	ssyncset.done $0x0  }
0xa5: {  	[sflag:s1] =	ssyncadd.s32 $0xFFFFE000  }
0xa6: {  	[tilespmem:s21], [sflag:$0x2] =	stream.indirect.gather [spmem:s2], $0x40, s20, s20, $0xb8;
	[tilespmem:$0x1E0C0] =	vst v63  }
0xa7: {  	_ =	swait.ge [sflag:s17], $0x2000  }
0xa8: {  	[sflag:s17] =	ssyncset.done $0x0  }
0xa9: {  	[sflag:s17] =	ssyncadd.s32 $0xFFFFE000  }
0xaa: {  	[tilespmem:s23], [sflag:$0x3] =	stream.indirect.gather [spmem:s2], $0x40, s22, s20, $0xb8;
	[tilespmem:$0x1E0C0] =	vst v63  }
0xab: {  	_ =	swait.ge [sflag:s0], $0x2000  }
0xac: {  	[sflag:s0] =	ssyncset.done $0x0  }
0xad: {  	[sflag:s0] =	ssyncadd.s32 $0xFFFFE000  }
0xae: {  	[tilespmem:s25], [sflag:$0x4] =	stream.indirect.gather [spmem:s2], $0x40, s24, s20, $0xb8;
	[tilespmem:$0x1E0C0] =	vst v63  }
0xaf: {  	_ =	swait.ge [sflag:s26], $0x2000  }
0xb0: {  	[sflag:s26] =	ssyncset.done $0x0  }
0xb1: {  	[sflag:s26] =	ssyncadd.s32 $0xFFFFE000  }
0xb2: {  	_ =	swait.ge [sflag:s28], $0x2000  }
0xb3: {  	[sflag:s28] =	ssyncset.done $0x0  }
0xb4: {  	[sflag:s28] =	ssyncadd.s32 $0xFFFFE000  }
0xb5: {  	_ =	swait.ge [sflag:s29], $0x2000  }
0xb6: {  	[sflag:s29] =	ssyncset.done $0x0  }
0xb7: {  	[sflag:s29] =	ssyncadd.s32 $0xFFFFE000  }
0xb8: {  	_ =	swait.ge [sflag:s30], $0x2000  }
0xb9: {  	s5 =	sadd.s32 $0x1, s5;
	[sflag:s30] =	ssyncset.done $0x0  }
0xba: {  	p1 =	sne.s32 s5, s15;
	[sflag:s30] =	ssyncadd.s32 $0xFFFFE000  }
.Ltmp2:
0xbb: {  	s10 =	sshrl.u32 s8, $0x3;
	[bflag:$0x0] =	sbarrier.arrive $0xFFFF;
	(pc) =	sbr.rel @p1 .LBB2_1-.Ltmp2, $4  }
0xbc: {  	[hbm:s14], [sflag:s6] =	dma.local [spmem:s10], $0x1388  }
0xbd: {  	_ =	swait.ge [sflag:s16], $0x1388  }
0xbe: {  	[sflag:s16] =	ssyncset.done $0x0  }
0xbf: {  	[sflag:s16] =	ssyncadd.s32 $0xFFFFEC78  }
0xc0: {  	_ =	sfence.sel $0x180000  }
0xc1: {  	[bflag:$0x0] =	sbarrier.arrive $0xFFFF  }
0xc2: {  	_ =	strace $0x9000004A  }
0xc3: {  	s0 =	stileid.u32;
	[bflag:$0x2] =	sbarrier.arrive $0xFFFF  }
0xc4: {  	p0 =	sne.s32 s0, $0x0;
	s0 =	rddreg [dreg:$0x3]  }
0xc5: {  	s0 =	sadd.s32 @!p0 $0x100000, s0  }
0xc6: {  	[sflag:s0] =	ssyncadd.tile.s32 @!p0 $0x1;
	_ =	shalt  }
.Lfunc_end2:
_tile_overlayer_lowered:
.L_overlay_start_2:
0xc7: {  	(tag) =	ssettag $0x2  }
0xc8: {  	s0 =	rddreg [dreg:$0x0];
	s2 =	stileid.u32  }
0xc9: {  	s1 =	rddreg [dreg:$0x1];
	p0 =	sne.s32 s2, $0x0  }
0xca: {  	s3 =	rddreg [dreg:$0x2];
	[bflag:$0x3] =	sbarrier.arrive $0xFFFF;
	s2 =	simm.s32 @!p0 $0x1C09  }
0xcb: {  	[timem:s3], [sflag:s2] =	dma.local @!p0 [hbm:s0], s1  }
0xcc: {  	s0 =	simm.s32 @!p0 $0x9  }
0xcd: {  	_ =	swait.ge @!p0 [sflag:s0], s1  }
0xce: {  	s1 =	ssub.s32 @!p0 $0x0, s1;
	[sflag:s0] =	ssyncset.done @!p0 $0x0  }
0xcf: {  	[sflag:s0] =	ssyncadd.s32 @!p0 s1  }
0xd0: {  	[bflag:$0x3] =	sbarrier.arrive $0xFFFF  }
0xd1: {  	_ =	shalt  }

// kernel: kernel.8.cloned.1.call-start
scs
__scs_entry_jumppad:
0x0: {  	(pc) =	sbr.rel $0x88, $3  }
0x1: {  	(tag) =	ssettag $0x0;
	lr =	simm.s32 $0x1  }
0x2: {  	[smem:$0x3F97] =	sst lr;
	_ =	strace $0xD0000000  }
0x3: {  	_ = 	snop  }
0x4: {  	_ = 	snop  }
0x5: {  	_ = 	snop  }
0x6: {  	_ = 	snop  }
0x7: {  	_ = 	snop  }
__scs_overlays_trampoline_lowered:
0x8: {  	[smem:$0x3FA6] =	sst s0  }
0x9: {  	[smem:$0x3FA7] =	sst s1  }
0xa: {  	[smem:$0x3FA8] =	sst s2  }
0xb: {  	[smem:$0x3FA9] =	sst s3  }
0xc: {  	[smem:$0x3FAA] =	sst s4  }
0xd: {  	[smem:$0x3FAB] =	sst s5  }
0xe: {  	[smem:$0x3FAC] =	sst s6  }
0xf: {  	[smem:$0x3FAD] =	sst s7  }
0x10: {  	[smem:$0x3FAE] =	sst s8  }
0x11: {  	[smem:$0x3FAF] =	sst s9;
	s0 =	simm.s32 @!p0 $0x0  }
0x12: {  	s1 =	sld [smem:$0x3F95];
	s0 =	simm.s32 @p0 $0x1  }
0x13: {  	[smem:$0x3FB0] =	sst s0;
	s0 =	simm.s32 @!p1 $0x0  }
0x14: {  	s2 =	sld [smem:$0x3F94];
	s0 =	simm.s32 @p1 $0x1  }
0x15: {  	[smem:$0x3FB1] =	sst s0;
	s0 =	simm.s32 @!p2 $0x0  }
0x16: {  	s3 =	sld [smem:$0x3FDB];
	s0 =	simm.s32 @p2 $0x1  }
0x17: {  	s4 =	simm.s32 $0x1BF5;
	[smem:$0x3FB3] =	sst s0  }
0x18: {  	s0 =	sld [smem:$0x3F96];
	_ =	swait.ge [sflag:s4], $0x0  }
0x19: {  	s7 =	sld [smem:$0x3F97]  }
0x1a: {  	s8 =	sadd.s32 $0xFFFFE003, lr  }
0x1b: {  	s9 =	sadd.s32 $0xFFFFFEF7, lr;
	s5 =	simm.s32 $0xFFFFFFFF;
	p2 =	slt.u32 s8, $0xFFFFF086  }
0x1c: {  	p1 =	slt.u32 s9, $0xF7A;
	s5 =	simm.s32 @!p2 $0x0  }
0x1d: {  	s5 =	simm.s32 @p1 $0x1;
	p0 =	seq.s32 s7, s2  }
0x1e: {  	s7 =	smul.u32 @!p0 $0xF7A, s2;
	p2 =	seq.s32 @!p0 s5, $0x0  }
0x1f: {  	s9 =	smul.u32 $0xF7A, s1;
	s8 =	simm.s32 @!p0 $0x1BF5;
	p2 =	por !p2, p0  }
0x20: {  	[sflag:s8] =	ssyncset.s32 @!p0 $0xFFFFF086;
	s6 =	sadd.s32 @!p0 s3, s7;
	s7 =	simm.s32 @!p0 $0x108  }
0x21: {  	s3 =	sadd.s32 s3, s9;
	s6 =	sadd.s32 @!p0 $0x88, s6;
	s7 =	simm.s32 @p2 $0x1082  }
0x22: {  	[simem:s7], [sflag:s8] =	dma.local @!p0 [hbm:s6], $0xF7A  }
0x23: {  	s9 =	sor.u32 $0xD0000000, s2;
	s6 =	simm.s32 $0x108;
	_ =	swait.ge @!p0 [sflag:s8], $0x0  }
0x24: {  	s3 =	sadd.s32 $0x88, s3;
	s6 =	simm.s32 @!p1 $0x1082;
	[sflag:s4] =	ssyncset.s32 $0xFFFFF086  }
0x25: {  	[simem:s6], [sflag:s4] =	dma.local [hbm:s3], $0xF7A  }
0x26: {  	[smem:$0x3F97] =	sst s1;
	(tag) =	ssettag s2;
	_ =	strace s9  }
0x27: {  	s1 =	sld [smem:$0x3FA7]  }
0x28: {  	s2 =	sld [smem:$0x3FA8]  }
0x29: {  	s4 =	sld [smem:$0x3FAA]  }
0x2a: {  	p0 =	seq.s32 s5, $0x0;
	s5 =	sld [smem:$0x3FAB]  }
0x2b: {  	s6 =	sld [smem:$0x3FAC]  }
0x2c: {  	s7 =	sld [smem:$0x3FAD]  }
0x2d: {  	s3 =	simm.s32 $0x108;
	s8 =	sld [smem:$0x3FAE]  }
0x2e: {  	s3 =	simm.s32 @!p0 $0x1082;
	s9 =	sld [smem:$0x3FAF]  }
0x2f: {  	lr =	sadd.s32 s0, s3;
	s0 =	sld [smem:$0x3FA6]  }
0x30: {  	s3 =	sld [smem:$0x3FA9]  }
0x31: {  	[smem:$0x3FB2] =	sst s10  }
0x32: {  	s10 =	sld [smem:$0x3FB0];
	_ =	sdelay $0x3  }
0x33: {  	p0 =	seq.s32 s10, $0x1;
	s10 =	sld [smem:$0x3FB2];
	_ =	sdelay $0x3  }
0x34: {  	[smem:$0x3FB2] =	sst s10  }
0x35: {  	s10 =	sld [smem:$0x3FB1];
	_ =	sdelay $0x3  }
0x36: {  	p1 =	seq.s32 s10, $0x1;
	s10 =	sld [smem:$0x3FB2];
	_ =	sdelay $0x3  }
0x37: {  	[smem:$0x3FB2] =	sst s10  }
0x38: {  	s10 =	sld [smem:$0x3FB3]  }
0x39: {  	_ = 	snop;
	(pc) =	sbr.ind lr, $3  }
0x3a: {  	_ = 	snop  }
0x3b: {  	_ = 	snop  }
0x3c: {  	p2 =	seq.s32 s10, $0x1;
	s10 =	sld [smem:$0x3FB2]  }
0x3d: {  	_ =	shalt  }
0x3e: {  	_ =	shalt  }
0x3f: {  	_ =	shalt  }
0x40: {  	_ =	shalt  }
0x41: {  	_ =	shalt  }
0x42: {  	_ =	shalt  }
0x43: {  	_ =	shalt  }
0x44: {  	_ =	shalt  }
0x45: {  	_ =	shalt  }
0x46: {  	_ =	shalt  }
0x47: {  	_ =	shalt  }
0x48: {  	_ =	shalt  }
0x49: {  	_ =	shalt  }
0x4a: {  	_ =	shalt  }
0x4b: {  	_ =	shalt  }
0x4c: {  	_ =	shalt  }
0x4d: {  	_ =	shalt  }
0x4e: {  	_ =	shalt  }
0x4f: {  	_ =	shalt  }
0x50: {  	_ =	shalt  }
0x51: {  	_ =	shalt  }
0x52: {  	_ =	shalt  }
0x53: {  	_ =	shalt  }
0x54: {  	_ =	shalt  }
0x55: {  	_ =	shalt  }
0x56: {  	_ =	shalt  }
0x57: {  	_ =	shalt  }
0x58: {  	_ =	shalt  }
0x59: {  	_ =	shalt  }
0x5a: {  	_ =	shalt  }
0x5b: {  	_ =	shalt  }
0x5c: {  	_ =	shalt  }
0x5d: {  	_ =	shalt  }
0x5e: {  	_ =	shalt  }
0x5f: {  	_ =	shalt  }
0x60: {  	_ =	shalt  }
0x61: {  	_ =	shalt  }
0x62: {  	_ =	shalt  }
0x63: {  	_ =	shalt  }
0x64: {  	_ =	shalt  }
0x65: {  	_ =	shalt  }
0x66: {  	_ =	shalt  }
0x67: {  	_ =	shalt  }
0x68: {  	_ =	shalt  }
0x69: {  	_ =	shalt  }
0x6a: {  	_ =	shalt  }
0x6b: {  	_ =	shalt  }
0x6c: {  	_ =	shalt  }
0x6d: {  	_ =	shalt  }
0x6e: {  	_ =	shalt  }
0x6f: {  	_ =	shalt  }
0x70: {  	_ =	shalt  }
0x71: {  	_ =	shalt  }
0x72: {  	_ =	shalt  }
0x73: {  	_ =	shalt  }
0x74: {  	_ =	shalt  }
0x75: {  	_ =	shalt  }
0x76: {  	_ =	shalt  }
0x77: {  	_ =	shalt  }
0x78: {  	_ =	shalt  }
0x79: {  	_ =	shalt  }
0x7a: {  	_ =	shalt  }
0x7b: {  	_ =	shalt  }
0x7c: {  	_ =	shalt  }
0x7d: {  	_ =	shalt  }
0x7e: {  	_ =	shalt  }
0x7f: {  	_ =	shalt  }
0x80: {  	_ =	shalt  }
0x81: {  	_ =	shalt  }
0x82: {  	_ =	shalt  }
0x83: {  	_ =	shalt  }
0x84: {  	_ =	shalt  }
0x85: {  	_ =	shalt  }
0x86: {  	_ =	shalt  }
0x87: {  	_ =	shalt  }
.Lfunc_end0:
.L_simem_size_0:
called_computation_lowered:
.L_overlay_start_0:
0x88: {  	s2 =	sld [smem:$0x3FD9]  }
0x89: {  	s3 =	sld [smem:$0x3FFE];
	_ =	sdelay $0x1  }
0x8a: {  	s1 =	srdreg.scid  }
0x8b: {  	s0 =	sand.u32 $0x1, s1  }
0x8c: {  	s16 =	sshll.u32 s0, $0xA;
	s2 =	sadd.s32 s3, s2  }
0x8d: {  	s2 =	sadd.s32 s2, s16  }
0x8e: {  	[smem:$0x3FBE] =	sst s2  }
0x8f: {  	_ = 	snop  }
0x90: {  	(tm) =	ssettm $0x1  }
0x91: {  	s17 =	sld [smem:$0x3FFB];
	_ =	sdelay $0x3  }
0x92: {  	_ =	strace s17  }
0x93: {  	s2 =	sld [smem:$0x3FFC];
	_ =	sdelay $0x3  }
0x94: {  	_ =	strace s2  }
0x95: {  	s2 =	sld [smem:$0x3FFD];
	_ =	sdelay $0x3  }
0x96: {  	_ =	strace s2  }
0x97: {  	_ =	strace $0x8FFFFFFF  }
0x98: {  	s18 =	sld [smem:$0x3FDB];
	_ =	sdelay $0x1  }
0x99: {  	s19 =	simm.s32 $_scs_section_size  }
0x9a: {  	s4 =	simm.s32 $_size__tile_overlayer_lowered;
	s5 =	simm.s32 $_tile_overlayer_lowered  }
0x9b: {  	s22 =	simm.s32 $0x1BFF;
	s21 =	sshll.u32 s5, $0x1;
	s2 =	sadd.s32 s19, s18  }
0x9c: {  	s6 =	simm.s32 $0x0;
	s20 =	sshll.u32 s4, $0x1;
	s4 =	sadd.s32 s21, s2  }
0x9d: {  	[timem:s6], [sflag:s22] =	dma.local [hbm:s4], s20  }
0x9e: {  	_ =	swait.ge [sflag:s22], s20  }
0x9f: {  	s3 =	ssub.s32 $0x0, s20;
	[sflag:s22] =	ssyncset.done $0x0  }
0xa0: {  	[sflag:s22] =	ssyncadd.s32 s3;
	_ =	sdelay $0x1  }
0xa1: {  	s23 =	simm.s32 $0x1B8B  }
0xa2: {  	_ =	swait.ge [sflag:s23], $0x1  }
0xa3: {  	[sflag:s23] =	ssyncset.done $0x0  }
0xa4: {  	s25 =	simm.s32 $0x1B8E;
	s24 =	sld [smem:$0x3FFE];
	[sflag:s23] =	ssyncadd.s32 $0xFFFFFFFF  }
0xa5: {  	s26 =	simm.s32 $execute0_lowered;
	[smem:$0x3FD2] =	sst s25  }
0xa6: {  	s4 =	sshll.u32 s26, $0x1;
	_ =	strace $0x80000046;
	[dreg:$0x1] =	wrdreg $0xFFFFFFFF  }
0xa7: {  	s28 =	simm.s32 $_size_execute0_lowered;
	s2 =	sadd.s32 s2, s4;
	[dreg:$0x0] =	wrdreg $0x0  }
0xa8: {  	s4 =	sshll.u32 s28, $0x1;
	[dreg:$0x2] =	wrdreg s2  }
0xa9: {  	[dreg:$0x3] =	wrdreg s4  }
0xaa: {  	[dreg:$0x4] =	wrdreg $0xC0  }
0xab: {  	_ =	task [dreg:s6], $0x5FFFF  }
0xac: {  	[dreg:$0x1] =	wrdreg $0xFFFFFFFF  }
0xad: {  	[dreg:$0x0] =	wrdreg $0x60  }
0xae: {  	[dreg:$0x2] =	wrdreg s24  }
0xaf: {  	[dreg:$0x3] =	wrdreg $0x43100  }
0xb0: {  	[dreg:$0x4] =	wrdreg $0x9  }
0xb1: {  	_ =	task.clear_ibuf [dreg:s6], $0x5FFFF;
	_ =	strace $0x90000046  }
0xb2: {  	s29 =	simm.s32 $0x9;
	_ =	strace $0x80000048  }
0xb3: {  	_ =	swait.ge [sflag:s29], $0x1  }
0xb4: {  	[sflag:s29] =	ssyncadd.s32 $0xFFFFFFFF  }
0xb5: {  	_ =	strace $0x90000048  }
0xb6: {  	_ =	sfence  }
0xb7: {  	s30 =	sld [smem:$0x0];
	_ =	sdelay $0x2  }
0xb8: {  	s31 =	sshll.u32 s1, $0xD;
	s1 =	sshrl.u32 s1, $0x2  }
0xb9: {  	s3 =	sand.u32 $0x4000, s31;
	s1 =	sadd.s32 s1, s30  }
0xba: {  	s0 =	sor.u32 s3, s0;
	s1 =	sshll.u32 s1, $0x11  }
0xbb: {  	s0 =	sor.u32 s1, s0  }
0xbc: {  	s0 =	sadd.s32 $0x8F2B, s0  }
0xbd: {  	[sflag:s0] =	ssyncadd.remote.s32 $0x1  }
0xbe: {  	_ =	sfence.sel $0xFFFF  }
0xbf: {  	[dreg:$0x0] =	wrdreg $0xFFFFFFFF;
	(pc) =	sbr.abs _section_cstart, $3  }
0xc0: {  	[dreg:$0x1] =	wrdreg $0xFFFFFFFF  }
0xc1: {  	_ =	task.clear_ibuf [dreg:s6], $0x2FFFF;
	_ =	strace $0x9FFFFFFF  }
0xc2: {  	(tm) =	ssettm $0x7FFFFFFF  }
0xc3: {  	_ =	shalt  }
tec
execute0_lowered:
.L_overlay_start_1:
0x0: {  	(tag) =	ssettag $0x1  }
0x1: {  	s0 =	rddreg [dreg:$0x0];
	s1 =	srdreg.scid  }
0x2: {  	s2 =	rddreg [dreg:$0x1];
	s9 =	stileid.u32  }
0x3: {  	s3 =	simm.s32 $0x0;
	s11 =	simm.s32 $0x80;
	s12 =	simm.s32 $0x1400  }
0x4: {  	s13 =	simm.s32 $0xB80;
	s14 =	simm.s32 $0xC00;
	s15 =	simm.s32 $0xC80  }
0x5: {  	s16 =	simm.s32 $0xD00;
	s17 =	simm.s32 $0xD80;
	s18 =	simm.s32 $0xE00  }
0x6: {  	s19 =	simm.s32 $0xE80;
	s20 =	simm.s32 $0xF00;
	s21 =	simm.s32 $0xF80  }
0x7: {  	s22 =	simm.s32 $0x1000;
	s23 =	simm.s32 $0x1080;
	s24 =	simm.s32 $0x1100  }
0x8: {  	s25 =	simm.s32 $0x1180;
	s28 =	simm.s32 $0x1280;
	s29 =	simm.s32 $0x1300  }
0x9: {  	s30 =	simm.s32 $0x1380;
	s31 =	simm.s32 $0x1;
	s1 =	sand.u32 $0x1, s1  }
0xa: {  	s5 =	smul.u32 $0x2710, s9;
	[smem:$0x7FF] =	sst s3;
	p0 =	sne.s32 s9, $0xF  }
0xb: {  	s4 =	sshll.u32 s1, $0x4;
	s6 =	smul.u32 $0x27100, s1;
	s1 =	ssub.s32 $0x2, s1  }
0xc: {  	_ =	strace $0x80000047;
	s4 =	sor.u32 s9, s4;
	s26 =	sshrl.u32 s1, $0x1  }
0xd: {  	s9 =	simm.s32 $0x2;
	s4 =	smul.u32 $0x1400, s4;
	s6 =	sadd.s32 s5, s6  }
0xe: {  	s1 =	ssub.s32 s1, s26;
	s5 =	sadd.s32 s5, s2;
	s26 =	simm.s32 $0x1200  }
0xf: {  	s6 =	sshrl.u32 s6, $0x3;
	s8 =	smax.u32 s1, $0x1;
	s4 =	sshrl.u32 s4, $0x3  }
0x10: {  	s7 =	sadd.s32 s6, s0;
	s6 =	sadd.s32 $0x27100, s2;
	s0 =	sadd.s32 s0, s4  }
0x11: {  	v0 =	vimm.f32 $1.000000000e+00;
	v1 =	vimm.f32 $0.0e+00;
	s7 =	sadd.s32 $0xBE00, s7;
	s4 =	sadd.s32 $0x6E00, s0;
	s0 =	simm.s32 $0x0  }
.LBB2_1:
0x12: {  	s1 =	simm.s32 $0x0  }
.LBB2_2:
0x13: {  	p1 =	sne.s32 s1, $0x1FC0  }
.Ltmp0:
0x14: {  	_ = 	snop;
	(pc) =	sbr.rel @p1 .LBB2_2-.Ltmp0, $3  }
0x15: {  	_ =	sdelay $0x1  }
0x16: {  	s10 =	sshra.s32 s1, $0x2  }
0x17: {  	s1 =	sadd.s32 $0x40, s1;
	[tilespmem:s10+$0x1400] =	vst v0  }
0x18: {  	s1 =	simm.s32 $0x40;
	s10 =	simm.s32 $0x0  }
.LBB2_4:
0x19: {  	p1 =	sne.s32 s1, $0x9C00;
	[tilespmem:s10+$0x1C00] =	vst v1;
	s10 =	smov.u32 s1;
	s1 =	sadd.s32 $0x40, s1  }
.Ltmp1:
0x1a: {  	(pc) =	sbr.rel @p1 .LBB2_4-.Ltmp1, $2  }
0x1b: {  	_ =	sdelay $0x2  }
0x1c: {  	s10 =	sshra.s32 s10, $0x2  }
0x1d: {  	[tilespmem:s10+$0x1C00] =	vst v1  }
0x1e: {  	[tilespmem:s3], [sflag:$0x2] =	stream.linear.gather [hbm4b:s4+s3], $0x1400, $0x38;
	[tilespmem:$0x6A30] =	vst v63  }
0x1f: {  	_ =	swait.ge [sflag:s9], $0x1400  }
0x20: {  	[sflag:s9] =	ssyncset.done $0x0  }
0x21: {  	s1 =	simm.s32 $0x1C00;
	[sflag:s9] =	ssyncadd.s32 $0xFFFFEC00  }
0x22: {  	[spmem:s5] =	stream.linear.scatter [tilespmem:s1], [sflag:$0x2], $0x2710, $0x38;
	[tilespmem:$0x6A30] =	vst v63  }
0x23: {  	_ =	swait.ge [sflag:s9], $0x2710  }
0x24: {  	[sflag:s9] =	ssyncset.done $0x0  }
0x25: {  	s1 =	simm.s32 @!p0 $0x1C00;
	[sflag:s9] =	ssyncadd.s32 $0xFFFFD8F0  }
0x26: {  	[spmem:s6] =	stream.linear.scatter @!p0 [tilespmem:s1], [sflag:$0x2], $0x100, $0x38;
	[tilespmem:$0x6A30] =	vst v63  }
0x27: {  	s1 =	simm.s32 @!p0 $0x2  }
0x28: {  	_ =	swait.ge @!p0 [sflag:s1], $0x100  }
0x29: {  	[sflag:s1] =	ssyncset.done @!p0 $0x0  }
0x2a: {  	[sflag:s1] =	ssyncadd.s32 @!p0 $0xFFFFFF00  }
0x2b: {  	[bflag:$0x0] =	sbarrier.arrive $0xFFFF  }
0x2c: {  	[spmem:s2] =	stream.indirect.scatter.add.f32 [tilespmem:s12], [sflag:$0x1], $0x10, s3, s11, $0xb8;
	[tilespmem:$0x6A30] =	vst v63  }
0x2d: {  	_ = 	snop  }
0x2e: {  	[spmem:s2] =	stream.indirect.scatter.add.f32 [tilespmem:s12], [sflag:$0x1], $0x10, s11, s11, $0xb8;
	[tilespmem:$0x6A30] =	vst v63  }
0x2f: {  	s10 =	simm.s32 $0x100  }
0x30: {  	[spmem:s2] =	stream.indirect.scatter.add.f32 [tilespmem:s12], [sflag:$0x1], $0x10, s10, s11, $0xb8;
	[tilespmem:$0x6A30] =	vst v63  }
0x31: {  	s10 =	simm.s32 $0x180  }
0x32: {  	[spmem:s2] =	stream.indirect.scatter.add.f32 [tilespmem:s12], [sflag:$0x1], $0x10, s10, s11, $0xb8;
	[tilespmem:$0x6A30] =	vst v63  }
0x33: {  	s10 =	simm.s32 $0x200  }
0x34: {  	[spmem:s2] =	stream.indirect.scatter.add.f32 [tilespmem:s12], [sflag:$0x1], $0x10, s10, s11, $0xb8;
	[tilespmem:$0x6A30] =	vst v63  }
0x35: {  	s10 =	simm.s32 $0x280  }
0x36: {  	[spmem:s2] =	stream.indirect.scatter.add.f32 [tilespmem:s12], [sflag:$0x1], $0x10, s10, s11, $0xb8;
	[tilespmem:$0x6A30] =	vst v63  }
0x37: {  	s10 =	simm.s32 $0x300  }
0x38: {  	[spmem:s2] =	stream.indirect.scatter.add.f32 [tilespmem:s12], [sflag:$0x1], $0x10, s10, s11, $0xb8;
	[tilespmem:$0x6A30] =	vst v63  }
0x39: {  	s10 =	simm.s32 $0x380  }
0x3a: {  	[spmem:s2] =	stream.indirect.scatter.add.f32 [tilespmem:s12], [sflag:$0x1], $0x10, s10, s11, $0xb8;
	[tilespmem:$0x6A30] =	vst v63  }
0x3b: {  	s10 =	simm.s32 $0x400  }
0x3c: {  	[spmem:s2] =	stream.indirect.scatter.add.f32 [tilespmem:s12], [sflag:$0x1], $0x10, s10, s11, $0xb8;
	[tilespmem:$0x6A30] =	vst v63  }
0x3d: {  	s10 =	simm.s32 $0x480  }
0x3e: {  	[spmem:s2] =	stream.indirect.scatter.add.f32 [tilespmem:s12], [sflag:$0x1], $0x10, s10, s11, $0xb8;
	[tilespmem:$0x6A30] =	vst v63  }
0x3f: {  	s10 =	simm.s32 $0x500  }
0x40: {  	[spmem:s2] =	stream.indirect.scatter.add.f32 [tilespmem:s12], [sflag:$0x1], $0x10, s10, s11, $0xb8;
	[tilespmem:$0x6A30] =	vst v63  }
0x41: {  	s10 =	simm.s32 $0x580  }
0x42: {  	[spmem:s2] =	stream.indirect.scatter.add.f32 [tilespmem:s12], [sflag:$0x1], $0x10, s10, s11, $0xb8;
	[tilespmem:$0x6A30] =	vst v63  }
0x43: {  	s10 =	simm.s32 $0x600  }
0x44: {  	[spmem:s2] =	stream.indirect.scatter.add.f32 [tilespmem:s12], [sflag:$0x1], $0x10, s10, s11, $0xb8;
	[tilespmem:$0x6A30] =	vst v63  }
0x45: {  	s10 =	simm.s32 $0x680  }
0x46: {  	[spmem:s2] =	stream.indirect.scatter.add.f32 [tilespmem:s12], [sflag:$0x1], $0x10, s10, s11, $0xb8;
	[tilespmem:$0x6A30] =	vst v63  }
0x47: {  	s10 =	simm.s32 $0x700  }
0x48: {  	[spmem:s2] =	stream.indirect.scatter.add.f32 [tilespmem:s12], [sflag:$0x1], $0x10, s10, s11, $0xb8;
	[tilespmem:$0x6A30] =	vst v63  }
0x49: {  	s10 =	simm.s32 $0x780  }
0x4a: {  	[spmem:s2] =	stream.indirect.scatter.add.f32 [tilespmem:s12], [sflag:$0x1], $0x10, s10, s11, $0xb8;
	[tilespmem:$0x6A30] =	vst v63  }
0x4b: {  	s10 =	simm.s32 $0x800  }
0x4c: {  	[spmem:s2] =	stream.indirect.scatter.add.f32 [tilespmem:s12], [sflag:$0x1], $0x10, s10, s11, $0xb8;
	[tilespmem:$0x6A30] =	vst v63  }
0x4d: {  	s10 =	simm.s32 $0x880  }
0x4e: {  	[spmem:s2] =	stream.indirect.scatter.add.f32 [tilespmem:s12], [sflag:$0x1], $0x10, s10, s11, $0xb8;
	[tilespmem:$0x6A30] =	vst v63  }
0x4f: {  	s10 =	simm.s32 $0x900  }
0x50: {  	[spmem:s2] =	stream.indirect.scatter.add.f32 [tilespmem:s12], [sflag:$0x1], $0x10, s10, s11, $0xb8;
	[tilespmem:$0x6A30] =	vst v63  }
0x51: {  	s10 =	simm.s32 $0x980  }
0x52: {  	[spmem:s2] =	stream.indirect.scatter.add.f32 [tilespmem:s12], [sflag:$0x1], $0x10, s10, s11, $0xb8;
	[tilespmem:$0x6A30] =	vst v63  }
0x53: {  	s10 =	simm.s32 $0xA00  }
0x54: {  	[spmem:s2] =	stream.indirect.scatter.add.f32 [tilespmem:s12], [sflag:$0x1], $0x10, s10, s11, $0xb8;
	[tilespmem:$0x6A30] =	vst v63  }
0x55: {  	s10 =	simm.s32 $0xA80  }
0x56: {  	[spmem:s2] =	stream.indirect.scatter.add.f32 [tilespmem:s12], [sflag:$0x1], $0x10, s10, s11, $0xb8;
	[tilespmem:$0x6A30] =	vst v63  }
0x57: {  	s10 =	simm.s32 $0xB00  }
0x58: {  	[spmem:s2] =	stream.indirect.scatter.add.f32 [tilespmem:s12], [sflag:$0x1], $0x10, s10, s11, $0xb8;
	[tilespmem:$0x6A30] =	vst v63  }
0x59: {  	_ = 	snop  }
0x5a: {  	[spmem:s2] =	stream.indirect.scatter.add.f32 [tilespmem:s12], [sflag:$0x1], $0x10, s13, s11, $0xb8;
	[tilespmem:$0x6A30] =	vst v63  }
0x5b: {  	_ = 	snop  }
0x5c: {  	[spmem:s2] =	stream.indirect.scatter.add.f32 [tilespmem:s12], [sflag:$0x1], $0x10, s14, s11, $0xb8;
	[tilespmem:$0x6A30] =	vst v63  }
0x5d: {  	_ = 	snop  }
0x5e: {  	[spmem:s2] =	stream.indirect.scatter.add.f32 [tilespmem:s12], [sflag:$0x1], $0x10, s15, s11, $0xb8;
	[tilespmem:$0x6A30] =	vst v63  }
0x5f: {  	_ = 	snop  }
0x60: {  	[spmem:s2] =	stream.indirect.scatter.add.f32 [tilespmem:s12], [sflag:$0x1], $0x10, s16, s11, $0xb8;
	[tilespmem:$0x6A30] =	vst v63  }
0x61: {  	_ = 	snop  }
0x62: {  	[spmem:s2] =	stream.indirect.scatter.add.f32 [tilespmem:s12], [sflag:$0x1], $0x10, s17, s11, $0xb8;
	[tilespmem:$0x6A30] =	vst v63  }
0x63: {  	_ = 	snop  }
0x64: {  	[spmem:s2] =	stream.indirect.scatter.add.f32 [tilespmem:s12], [sflag:$0x1], $0x10, s18, s11, $0xb8;
	[tilespmem:$0x6A30] =	vst v63  }
0x65: {  	_ = 	snop  }
0x66: {  	[spmem:s2] =	stream.indirect.scatter.add.f32 [tilespmem:s12], [sflag:$0x1], $0x10, s19, s11, $0xb8;
	[tilespmem:$0x6A30] =	vst v63  }
0x67: {  	_ = 	snop  }
0x68: {  	[spmem:s2] =	stream.indirect.scatter.add.f32 [tilespmem:s12], [sflag:$0x1], $0x10, s20, s11, $0xb8;
	[tilespmem:$0x6A30] =	vst v63  }
0x69: {  	_ = 	snop  }
0x6a: {  	[spmem:s2] =	stream.indirect.scatter.add.f32 [tilespmem:s12], [sflag:$0x1], $0x10, s21, s11, $0xb8;
	[tilespmem:$0x6A30] =	vst v63  }
0x6b: {  	_ = 	snop  }
0x6c: {  	[spmem:s2] =	stream.indirect.scatter.add.f32 [tilespmem:s12], [sflag:$0x1], $0x10, s22, s11, $0xb8;
	[tilespmem:$0x6A30] =	vst v63  }
0x6d: {  	_ = 	snop  }
0x6e: {  	[spmem:s2] =	stream.indirect.scatter.add.f32 [tilespmem:s12], [sflag:$0x1], $0x10, s23, s11, $0xb8;
	[tilespmem:$0x6A30] =	vst v63  }
0x6f: {  	_ = 	snop  }
0x70: {  	[spmem:s2] =	stream.indirect.scatter.add.f32 [tilespmem:s12], [sflag:$0x1], $0x10, s24, s11, $0xb8;
	[tilespmem:$0x6A30] =	vst v63  }
0x71: {  	_ = 	snop  }
0x72: {  	[spmem:s2] =	stream.indirect.scatter.add.f32 [tilespmem:s12], [sflag:$0x1], $0x10, s25, s11, $0xb8;
	[tilespmem:$0x6A30] =	vst v63  }
0x73: {  	_ = 	snop  }
0x74: {  	[spmem:s2] =	stream.indirect.scatter.add.f32 [tilespmem:s12], [sflag:$0x1], $0x10, s26, s11, $0xb8;
	[tilespmem:$0x6A30] =	vst v63  }
0x75: {  	_ = 	snop  }
0x76: {  	[spmem:s2] =	stream.indirect.scatter.add.f32 [tilespmem:s12], [sflag:$0x1], $0x10, s28, s11, $0xb8;
	[tilespmem:$0x6A30] =	vst v63  }
0x77: {  	_ = 	snop  }
0x78: {  	[spmem:s2] =	stream.indirect.scatter.add.f32 [tilespmem:s12], [sflag:$0x1], $0x10, s29, s11, $0xb8;
	[tilespmem:$0x6A30] =	vst v63  }
0x79: {  	_ = 	snop  }
0x7a: {  	[spmem:s2] =	stream.indirect.scatter.add.f32 [tilespmem:s12], [sflag:$0x1], $0x10, s30, s11, $0xb8;
	[tilespmem:$0x6A30] =	vst v63  }
0x7b: {  	_ =	swait.ge [sflag:s31], $0x800  }
0x7c: {  	s1 =	simm.s32 $0x27;
	[sflag:s31] =	ssyncset.done $0x0  }
.LBB2_6:
0x7d: {  	p1 =	sne.s32 s1, $0x1;
	s1 =	sadd.s32 $0xFFFFFFFF, s1;
	[sflag:s31] =	ssyncadd.s32 $0xFFFFF800  }
.Ltmp2:
0x7e: {  	(pc) =	sbr.rel @p1 .LBB2_6-.Ltmp2, $3  }
0x7f: {  	_ =	sdelay $0x1  }
0x80: {  	_ =	swait.ge [sflag:s31], $0x800  }
0x81: {  	[sflag:s31] =	ssyncset.done $0x0  }
0x82: {  	[sflag:s31] =	ssyncadd.s32 $0xFFFFF800;
	s1 =	stileid.u32;
	s0 =	sadd.s32 $0x1, s0  }
0x83: {  	s10 =	sshrl.u32 s5, $0x3;
	s1 =	sshll.u32 s1, $0x6;
	p1 =	sne.s32 s0, s8  }
.Ltmp3:
0x84: {  	[bflag:$0x0] =	sbarrier.arrive $0xFFFF;
	s1 =	sor.u32 $0x1C02, s1;
	(pc) =	sbr.rel @p1 .LBB2_1-.Ltmp3, $4  }
0x85: {  	[hbm:s7], [sflag:s1] =	dma.local [spmem:s10], $0x4E2  }
0x86: {  	_ =	swait.ge [sflag:s9], $0x4E2  }
0x87: {  	[sflag:s9] =	ssyncset.done $0x0  }
0x88: {  	[sflag:s9] =	ssyncadd.s32 $0xFFFFFB1E  }
0x89: {  	_ =	sfence.sel $0x180000  }
0x8a: {  	[bflag:$0x0] =	sbarrier.arrive $0xFFFF  }
0x8b: {  	_ =	strace $0x90000047  }
0x8c: {  	s0 =	stileid.u32;
	[bflag:$0x2] =	sbarrier.arrive $0xFFFF  }
0x8d: {  	p0 =	sne.s32 s0, $0x0;
	s0 =	rddreg [dreg:$0x2]  }
0x8e: {  	s0 =	sadd.s32 @!p0 $0x100000, s0  }
0x8f: {  	[sflag:s0] =	ssyncadd.tile.s32 @!p0 $0x1;
	_ =	shalt  }
.Lfunc_end2:
_tile_overlayer_lowered:
.L_overlay_start_2:
0x90: {  	(tag) =	ssettag $0x2  }
0x91: {  	s0 =	rddreg [dreg:$0x0];
	s2 =	stileid.u32  }
0x92: {  	s1 =	rddreg [dreg:$0x1];
	p0 =	sne.s32 s2, $0x0  }
0x93: {  	s3 =	rddreg [dreg:$0x2];
	[bflag:$0x3] =	sbarrier.arrive $0xFFFF;
	s2 =	simm.s32 @!p0 $0x1C02  }
0x94: {  	[timem:s3], [sflag:s2] =	dma.local @!p0 [hbm:s0], s1  }
0x95: {  	s0 =	simm.s32 @!p0 $0x2  }
0x96: {  	_ =	swait.ge @!p0 [sflag:s0], s1  }
0x97: {  	s1 =	ssub.s32 @!p0 $0x0, s1;
	[sflag:s0] =	ssyncset.done @!p0 $0x0  }
0x98: {  	[sflag:s0] =	ssyncadd.s32 @!p0 s1  }
0x99: {  	[bflag:$0x3] =	sbarrier.arrive $0xFFFF  }
0x9a: {  	_ =	shalt  }

</sc_bundles>
